<compile_context>
chip_gen: v7x
topology: tpu7x:2x2x1
jax: 0.10.2.dev20260603
libtpu: 0.0.44.dev20260713+nightly
codegen_flags: <defaults>
</compile_context>

<pallas_src>
import functools

import jax
import jax.numpy as jnp
from jax import lax
from jax.experimental import pallas as pl
from jax.experimental.pallas import tpu as pltpu
from jax.experimental.pallas import tpu_sc as plsc

F32 = jnp.float32

N = 10000
E = 320000
D = 128

NC = 2
NS = 16
NW = NC * NS
E_PER_TILE = E // NW
CHUNK = 80
NCHUNK = 128
E_TILE_PAD = NCHUNK * CHUNK
N_DUMMY = E_TILE_PAD - E_PER_TILE
N_PAD = 10240
ROWS_PER_TILE = N_PAD // NS
DEG_PAD = 10240
DEG_W = 16
DEG_ROWS_PER_TILE = DEG_PAD // NS

_MESH = plsc.VectorSubcoreMesh(core_axis_name="c", subcore_axis_name="s")



def _sc_deg_body(dstr, zdeg, ones_hbm,
                 out_deg,
                 dst_v, ones_v, deg_sh):
    c = lax.axis_index("c")
    s = lax.axis_index("s")
    g = c * NS + s
    pltpu.sync_copy(dstr.at[g], dst_v)
    pltpu.sync_copy(ones_hbm, ones_v)
    db = s * DEG_ROWS_PER_TILE
    pltpu.sync_copy(zdeg.at[pl.ds(db, DEG_ROWS_PER_TILE)],
                    deg_sh.at[pl.ds(db, DEG_ROWS_PER_TILE)])
    plsc.subcore_barrier()

    @pl.loop(0, NCHUNK)
    def _(j):
        pltpu.sync_copy(ones_v, deg_sh.at[dst_v.at[j]], add=True)

    plsc.subcore_barrier()
    pltpu.sync_copy(deg_sh.at[pl.ds(db, DEG_ROWS_PER_TILE)],
                    out_deg.at[c, pl.ds(db, DEG_ROWS_PER_TILE)])


def _sc_agg_body(h_hbm, srcr, dstr, zagg,
                 out_agg,
                 src_v, dst_v, row, agg_sh, sem):
    c = lax.axis_index("c")
    s = lax.axis_index("s")
    g = c * NS + s
    rb = s * ROWS_PER_TILE
    pltpu.sync_copy(srcr.at[g], src_v)
    pltpu.sync_copy(dstr.at[g], dst_v)
    pltpu.sync_copy(zagg.at[pl.ds(rb, ROWS_PER_TILE)],
                    agg_sh.at[pl.ds(rb, ROWS_PER_TILE)])
    plsc.subcore_barrier()

    @pl.loop(0, NCHUNK)
    def _(j):
        pltpu.async_copy(h_hbm.at[src_v.at[j]], row, sem).wait()
        pltpu.sync_copy(row, agg_sh.at[dst_v.at[j]], add=True)

    plsc.subcore_barrier()
    pltpu.sync_copy(agg_sh.at[pl.ds(rb, ROWS_PER_TILE)],
                    out_agg.at[c, pl.ds(rb, ROWS_PER_TILE)])


_sc_deg = pl.kernel(
    _sc_deg_body,
    out_type=jax.ShapeDtypeStruct((NC, DEG_PAD, DEG_W), F32),
    mesh=_MESH,
    scratch_types=[
        pltpu.VMEM((NCHUNK, CHUNK), jnp.int32),
        pltpu.VMEM((CHUNK, DEG_W), F32),
        pltpu.VMEM_SHARED((DEG_PAD, DEG_W), F32),
    ],
)

_sc_agg = pl.kernel(
    _sc_agg_body,
    out_type=jax.ShapeDtypeStruct((NC, N_PAD, D), F32),
    mesh=_MESH,
    scratch_types=[
        pltpu.VMEM((NCHUNK, CHUNK), jnp.int32),
        pltpu.VMEM((NCHUNK, CHUNK), jnp.int32),
        pltpu.VMEM((CHUNK, D), F32),
        pltpu.VMEM_SHARED((N_PAD, D), F32),
        pltpu.SemaphoreType.DMA,
    ],
)



R = 1000


def _tc1_body(h_ref, p0_ref, p1_ref, d0_ref, d1_ref, wa_ref, wb_ref, b_ref,
              out_ref, inv_ref):
    inv = 1.0 / jnp.maximum(d0_ref[...] + d1_ref[...], 1e-9)
    inv_ref[...] = inv
    agg = (p0_ref[...] + p1_ref[...]) * inv
    acc = jnp.dot(h_ref[...], wa_ref[...], preferred_element_type=F32)
    acc = acc + jnp.dot(agg, wb_ref[...], preferred_element_type=F32)
    acc = acc + b_ref[...]
    out_ref[...] = jnp.maximum(acc, 0.0)


def _tc_body(h_ref, p0_ref, p1_ref, inv_ref, wa_ref, wb_ref, b_ref, out_ref,
             *, relu):
    agg = (p0_ref[...] + p1_ref[...]) * inv_ref[...]
    acc = jnp.dot(h_ref[...], wa_ref[...], preferred_element_type=F32)
    acc = acc + jnp.dot(agg, wb_ref[...], preferred_element_type=F32)
    acc = acc + b_ref[...]
    out_ref[...] = jnp.maximum(acc, 0.0) if relu else acc


_bs_rows = pl.BlockSpec((R, D), lambda i: (i, 0))
_bs_col = pl.BlockSpec((R, 1), lambda i: (i, 0))
_bs_w = pl.BlockSpec((D, D), lambda i: (0, 0))
_bs_b = pl.BlockSpec((1, D), lambda i: (0, 0))

_tc_layer1 = pl.pallas_call(
    _tc1_body,
    grid=(N // R,),
    in_specs=[_bs_rows, _bs_rows, _bs_rows, _bs_col, _bs_col,
              _bs_w, _bs_w, _bs_b],
    out_specs=(_bs_rows, _bs_col),
    out_shape=(jax.ShapeDtypeStruct((N, D), F32),
               jax.ShapeDtypeStruct((N, 1), F32)),
)


def _make_tc_layer(relu):
    return pl.pallas_call(
        functools.partial(_tc_body, relu=relu),
        grid=(N // R,),
        in_specs=[_bs_rows, _bs_rows, _bs_rows, _bs_col,
                  _bs_w, _bs_w, _bs_b],
        out_specs=_bs_rows,
        out_shape=jax.ShapeDtypeStruct((N, D), F32),
    )


_tc_layer_relu = _make_tc_layer(True)
_tc_layer_linear = _make_tc_layer(False)



def kernel(x, edge_index, W1, b1, W2, b2, W3, b3, W4, b4):
    pad_src = jnp.zeros((NW, N_DUMMY), jnp.int32)
    pad_dst = jnp.broadcast_to(
        N + jnp.arange(N_DUMMY, dtype=jnp.int32), (NW, N_DUMMY))
    src_r = jnp.concatenate(
        [edge_index[0].reshape(NW, E_PER_TILE), pad_src],
        axis=1).reshape(NW, NCHUNK, CHUNK)
    dst_r = jnp.concatenate(
        [edge_index[1].reshape(NW, E_PER_TILE), pad_dst],
        axis=1).reshape(NW, NCHUNK, CHUNK)
    zeros_agg = jnp.zeros((N_PAD, D), F32)
    zeros_deg = jnp.zeros((DEG_PAD, DEG_W), F32)
    ones_deg = jnp.ones((CHUNK, DEG_W), F32)

    def split(W, b):
        return W[:, :D].T, W[:, D:].T, b.reshape(1, D)

    wa1, wb1, bb1 = split(W1, b1)
    wa2, wb2, bb2 = split(W2, b2)
    wa3, wb3, bb3 = split(W3, b3)
    wa4, wb4, bb4 = split(W4, b4)

    deg_parts = _sc_deg(dst_r, zeros_deg, ones_deg)
    parts = _sc_agg(x, src_r, dst_r, zeros_agg)
    d0 = deg_parts[0, :N, 0:1]
    d1 = deg_parts[1, :N, 0:1]
    h, inv = _tc_layer1(x, parts[0], parts[1], d0, d1, wa1, wb1, bb1)

    parts = _sc_agg(h, src_r, dst_r, zeros_agg)
    h = _tc_layer_relu(h, parts[0], parts[1], inv, wa2, wb2, bb2)

    parts = _sc_agg(h, src_r, dst_r, zeros_agg)
    h = _tc_layer_relu(h, parts[0], parts[1], inv, wa3, wb3, bb3)

    parts = _sc_agg(h, src_r, dst_r, zeros_agg)
    h = _tc_layer_linear(h, parts[0], parts[1], inv, wa4, wb4, bb4)
    return h

# --- scband reference (transcript-rebuilt; emitter-appended) ---
"""Pipeline reference for scband-weighted-sage-14474039787720 (READ-ONLY COPY).

The authoritative reference and input builder live on the scoring server;
editing this copy changes nothing except your own understanding.
"""

import jax, jax.numpy as jnp
import numpy as np

N_NODES = 10000
N_EDGES = 320000
D = 128


def setup_inputs(seed: int = 0) -> dict:
    key = jax.random.key(seed)
    ks = jax.random.split(key, 12)
    x = jax.random.normal(ks[0], (N_NODES, D), dtype=jnp.float32)
    edge_index = jax.random.randint(ks[1], (2, N_EDGES), 0, N_NODES, dtype=jnp.int32)
    s = 0.05
    W1 = jax.random.normal(ks[2], (D, 2 * D), dtype=jnp.float32) * s
    b1 = jnp.zeros((D,), dtype=jnp.float32)
    W2 = jax.random.normal(ks[3], (D, 2 * D), dtype=jnp.float32) * s
    b2 = jnp.zeros((D,), dtype=jnp.float32)
    W3 = jax.random.normal(ks[4], (D, 2 * D), dtype=jnp.float32) * s
    b3 = jnp.zeros((D,), dtype=jnp.float32)
    W4 = jax.random.normal(ks[5], (D, 2 * D), dtype=jnp.float32) * s
    b4 = jnp.zeros((D,), dtype=jnp.float32)
    return {"x": x, "edge_index": edge_index, "W1": W1, "b1": b1, "W2": W2, "b2": b2, "W3": W3, "b3": b3, "W4": W4, "b4": b4}


def _edge_weights_uniform(edge_index, n_nodes):
    # assign_edge_weights(mode='uniform'): raw = ones, row-softmax per dst
    src = edge_index[0]
    dst = edge_index[1]
    raw = jnp.ones(dst.shape[0], dtype=jnp.float32)
    # scatter_reduce amax with include_self=True on zeros init
    max_per_dst = jnp.zeros((n_nodes,), dtype=jnp.float32).at[dst].max(raw)
    shifted = raw - max_per_dst[dst]
    exp_w = jnp.exp(shifted)
    sum_per_dst = jnp.clip(jnp.zeros((n_nodes,), dtype=jnp.float32).at[dst].add(exp_w), 1e-9, None)
    return exp_w / sum_per_dst[dst]


def _wmp_layer(h, w, src, dst, n_nodes, W, b):
    # AGG(v) = sum_{u in N(v)} w_uv * h_u ; out = Linear([h || agg])
    m = w[:, None] * h[src]
    agg = jnp.zeros((n_nodes, h.shape[1]), dtype=h.dtype).at[dst].add(m)
    return jnp.concatenate([h, agg], axis=1) @ W.T + b


def reference(x, edge_index, W1, b1, W2, b2, W3, b3, W4, b4):
    n_nodes = x.shape[0]
    src = edge_index[0]
    dst = edge_index[1]
    w = _edge_weights_uniform(edge_index, n_nodes)
    h = jax.nn.relu(_wmp_layer(x, w, src, dst, n_nodes, W1, b1))
    h = jax.nn.relu(_wmp_layer(h, w, src, dst, n_nodes, W2, b2))
    h = jax.nn.relu(_wmp_layer(h, w, src, dst, n_nodes, W3, b3))
    h = _wmp_layer(h, w, src, dst, n_nodes, W4, b4)
    return h

if __name__ == "__main__":
    import jax
    _d = setup_inputs()
    print(jax.jit(kernel)(*tuple(_d.values())))

</pallas_src>

<mosaic_0001>
#map = affine_map<(d0, d1) -> (0, 0, 0)>
#map1 = affine_map<(d0, d1) -> (0, 0)>
module attributes {stable_mosaic.version = 14 : i64} {
  func.func @_sc_deg_body(%arg0: i32, %arg1: i32, %arg2: memref<32x128x80xi32, #tpu.memory_space<hbm>>, %arg3: memref<10240x16xf32, #tpu.memory_space<hbm>>, %arg4: memref<80x16xf32, #tpu.memory_space<hbm>>, %arg5: memref<2x10240x16xf32, #tpu.memory_space<hbm>>, %arg6: memref<128x80xi32, #tpu.memory_space<vmem>>, %arg7: memref<80x16xf32, #tpu.memory_space<vmem>>, %arg8: memref<10240x16xf32, #tpu.memory_space<vmem_shared>>) attributes {dimension_semantics = [#tpu.dimension_semantics<core_parallel>, #tpu.dimension_semantics<subcore_parallel>], iteration_bounds = array<i64: 2, 16>, scalar_prefetch = 0 : i64, scratch_operands = 3 : i64, tpu.core_type = #tpu.core_type<sc_vector_subcore>, window_params = [{transform_indices = #map}, {transform_indices = #map1}, {transform_indices = #map1}, {transform_indices = #map}]} {
    %mul3A = arith.constant 16 : i32
    %mul3A_0 = arith.muli %arg0, %mul3A : i32
    %add3A = arith.addi %mul3A_0, %arg1 : i32
    "tpu.region"() ({
      %run_scoped3A = tpu.sem_alloc : memref<!tpu.dma_semaphore, #tpu.memory_space<semaphore_mem>>
      %dma_start3A = arith.constant 0 : i32
      %dma_start3A_8 = arith.constant 0 : i32
      %dma_start3A_9 = tpu.memref_slice %arg2[%add3A, %dma_start3A, %dma_start3A_8] : memref<32x128x80xi32, #tpu.memory_space<hbm>> -> memref<1x128x80xi32, #tpu.memory_space<hbm>>
      %dma_start3A_10 = tpu.memref_squeeze %dma_start3A_9 : memref<1x128x80xi32, #tpu.memory_space<hbm>> -> memref<128x80xi32, #tpu.memory_space<hbm>>
      %dma_start3A_11 = arith.constant 0 : i32
      %dma_start3A_12 = arith.constant 0 : i32
      %dma_start3A_13 = tpu.memref_slice %arg2[%add3A, %dma_start3A_11, %dma_start3A_12] : memref<32x128x80xi32, #tpu.memory_space<hbm>> -> memref<1x128x80xi32, #tpu.memory_space<hbm>>
      %dma_start3A_14 = tpu.memref_squeeze %dma_start3A_13 : memref<1x128x80xi32, #tpu.memory_space<hbm>> -> memref<128x80xi32, #tpu.memory_space<hbm>>
      tpu.enqueue_dma source(%dma_start3A_14 : memref<128x80xi32, #tpu.memory_space<hbm>>) target(%arg6 : memref<128x80xi32, #tpu.memory_space<vmem>>) target_semaphore(%run_scoped3A : memref<!tpu.dma_semaphore, #tpu.memory_space<semaphore_mem>>)
      %dma_wait3A = arith.constant 0 : i32
      %dma_wait3A_15 = arith.constant 0 : i32
      %dma_wait3A_16 = tpu.memref_slice %arg2[%add3A, %dma_wait3A, %dma_wait3A_15] : memref<32x128x80xi32, #tpu.memory_space<hbm>> -> memref<1x128x80xi32, #tpu.memory_space<hbm>>
      %dma_wait3A_17 = tpu.memref_squeeze %dma_wait3A_16 : memref<1x128x80xi32, #tpu.memory_space<hbm>> -> memref<128x80xi32, #tpu.memory_space<hbm>>
      %dma_wait3A_18 = arith.constant 0 : i32
      %dma_wait3A_19 = arith.constant 0 : i32
      %dma_wait3A_20 = tpu.memref_slice %arg2[%add3A, %dma_wait3A_18, %dma_wait3A_19] : memref<32x128x80xi32, #tpu.memory_space<hbm>> -> memref<1x128x80xi32, #tpu.memory_space<hbm>>
      %dma_wait3A_21 = tpu.memref_squeeze %dma_wait3A_20 : memref<1x128x80xi32, #tpu.memory_space<hbm>> -> memref<128x80xi32, #tpu.memory_space<hbm>>
      tpu.wait_dma2 semaphore(%run_scoped3A : memref<!tpu.dma_semaphore, #tpu.memory_space<semaphore_mem>>) src(%dma_wait3A_21 : memref<128x80xi32, #tpu.memory_space<hbm>>) dst(%arg6 : memref<128x80xi32, #tpu.memory_space<vmem>>)
      tpu.yield
    }) : () -> ()
    "tpu.region"() ({
      %run_scoped3A = tpu.sem_alloc : memref<!tpu.dma_semaphore, #tpu.memory_space<semaphore_mem>>
      tpu.enqueue_dma source(%arg4 : memref<80x16xf32, #tpu.memory_space<hbm>>) target(%arg7 : memref<80x16xf32, #tpu.memory_space<vmem>>) target_semaphore(%run_scoped3A : memref<!tpu.dma_semaphore, #tpu.memory_space<semaphore_mem>>)
      tpu.wait_dma2 semaphore(%run_scoped3A : memref<!tpu.dma_semaphore, #tpu.memory_space<semaphore_mem>>) src(%arg4 : memref<80x16xf32, #tpu.memory_space<hbm>>) dst(%arg7 : memref<80x16xf32, #tpu.memory_space<vmem>>)
      tpu.yield
    }) : () -> ()
    %mul3A_1 = arith.constant 640 : i32
    %mul3A_2 = arith.muli %arg1, %mul3A_1 : i32
    "tpu.region"() ({
      %run_scoped3A = tpu.sem_alloc : memref<!tpu.dma_semaphore, #tpu.memory_space<semaphore_mem>>
      %dma_start3A = arith.constant 0 : i32
      %dma_start3A_8 = tpu.memref_slice %arg8[%mul3A_2, %dma_start3A] : memref<10240x16xf32, #tpu.memory_space<vmem_shared>> -> memref<640x16xf32, #tpu.memory_space<vmem_shared>>
      %dma_start3A_9 = arith.constant 0 : i32
      %dma_start3A_10 = tpu.memref_slice %arg3[%mul3A_2, %dma_start3A_9] : memref<10240x16xf32, #tpu.memory_space<hbm>> -> memref<640x16xf32, #tpu.memory_space<hbm>>
      tpu.enqueue_dma source(%dma_start3A_10 : memref<640x16xf32, #tpu.memory_space<hbm>>) target(%dma_start3A_8 : memref<640x16xf32, #tpu.memory_space<vmem_shared>>) target_semaphore(%run_scoped3A : memref<!tpu.dma_semaphore, #tpu.memory_space<semaphore_mem>>)
      %dma_wait3A = arith.constant 0 : i32
      %dma_wait3A_11 = tpu.memref_slice %arg8[%mul3A_2, %dma_wait3A] : memref<10240x16xf32, #tpu.memory_space<vmem_shared>> -> memref<640x16xf32, #tpu.memory_space<vmem_shared>>
      %dma_wait3A_12 = arith.constant 0 : i32
      %dma_wait3A_13 = tpu.memref_slice %arg3[%mul3A_2, %dma_wait3A_12] : memref<10240x16xf32, #tpu.memory_space<hbm>> -> memref<640x16xf32, #tpu.memory_space<hbm>>
      tpu.wait_dma2 semaphore(%run_scoped3A : memref<!tpu.dma_semaphore, #tpu.memory_space<semaphore_mem>>) src(%dma_wait3A_13 : memref<640x16xf32, #tpu.memory_space<hbm>>) dst(%dma_wait3A_11 : memref<640x16xf32, #tpu.memory_space<vmem_shared>>)
      tpu.yield
    }) : () -> ()
    %barrier3A = arith.constant 0 : index
    tpu.barrier barrier_id(%barrier3A)
    %scan3A = arith.constant 0 : i32
    %scan3A_3 = arith.constant 128 : i32
    %scan3A_4 = arith.addi %scan3A, %scan3A_3 : i32
    %scan3A_5 = arith.constant 1 : i32
    scf.for %scan3A_8 = %scan3A to %scan3A_4 step %scan3A_5  : i32 {
      %mul3A_9 = arith.constant 1 : i32
      %mul3A_10 = arith.muli %scan3A_8, %mul3A_9 : i32
      %add3A_11 = arith.constant 0 : i32
      %add3A_12 = arith.addi %add3A_11, %mul3A_10 : i32
      "tpu.region"() ({
        %run_scoped3A = tpu.sem_alloc : memref<!tpu.dma_semaphore, #tpu.memory_space<semaphore_mem>>
        %dma_start3A = arith.constant 0 : i32
        %dma_start3A_13 = tpu.memref_slice %arg6[%add3A_12, %dma_start3A] : memref<128x80xi32, #tpu.memory_space<vmem>> -> memref<1x80xi32, #tpu.memory_space<vmem>>
        %dma_start3A_14 = tpu.memref_squeeze %dma_start3A_13 : memref<1x80xi32, #tpu.memory_space<vmem>> -> memref<80xi32, #tpu.memory_space<vmem>>
        %dma_start3A_15 = arith.constant 0 : i32
        %dma_start3A_16 = arith.constant 0 : i32
        %dma_start3A_17 = tpu.memref_slice %arg8[%dma_start3A_15, %dma_start3A_16] : memref<10240x16xf32, #tpu.memory_space<vmem_shared>> -> memref<10240x16xf32, #tpu.memory_space<vmem_shared>>
        tpu.enqueue_indirect_dma source(%arg7 : memref<80x16xf32, #tpu.memory_space<vmem>>) target(%dma_start3A_17 : memref<10240x16xf32, #tpu.memory_space<vmem_shared>>) offsets(%dma_start3A_14 : memref<80xi32, #tpu.memory_space<vmem>>) semaphore(%run_scoped3A : memref<!tpu.dma_semaphore, #tpu.memory_space<semaphore_mem>>) {add = true}
        %dma_wait3A = arith.constant 0 : i32
        %dma_wait3A_18 = tpu.memref_slice %arg6[%add3A_12, %dma_wait3A] : memref<128x80xi32, #tpu.memory_space<vmem>> -> memref<1x80xi32, #tpu.memory_space<vmem>>
        %dma_wait3A_19 = tpu.memref_squeeze %dma_wait3A_18 : memref<1x80xi32, #tpu.memory_space<vmem>> -> memref<80xi32, #tpu.memory_space<vmem>>
        %dma_wait3A_20 = arith.constant 0 : i32
        %dma_wait3A_21 = arith.constant 0 : i32
        %dma_wait3A_22 = tpu.memref_slice %arg8[%dma_wait3A_20, %dma_wait3A_21] : memref<10240x16xf32, #tpu.memory_space<vmem_shared>> -> memref<10240x16xf32, #tpu.memory_space<vmem_shared>>
        tpu.wait_indirect_dma semaphore(%run_scoped3A : memref<!tpu.dma_semaphore, #tpu.memory_space<semaphore_mem>>) src(%arg7 : memref<80x16xf32, #tpu.memory_space<vmem>>) dst(%dma_wait3A_22 : memref<10240x16xf32, #tpu.memory_space<vmem_shared>>)
        tpu.yield
      }) : () -> ()
    }
    %scan3A_6 = arith.constant 128 : i32
    %barrier3A_7 = arith.constant 0 : index
    tpu.barrier barrier_id(%barrier3A_7)
    "tpu.region"() ({
      %run_scoped3A = tpu.sem_alloc : memref<!tpu.dma_semaphore, #tpu.memory_space<semaphore_mem>>
      %dma_start3A = arith.constant 0 : i32
      %dma_start3A_8 = tpu.memref_slice %arg5[%arg0, %mul3A_2, %dma_start3A] : memref<2x10240x16xf32, #tpu.memory_space<hbm>> -> memref<1x640x16xf32, #tpu.memory_space<hbm>>
      %dma_start3A_9 = tpu.memref_squeeze %dma_start3A_8 : memref<1x640x16xf32, #tpu.memory_space<hbm>> -> memref<640x16xf32, #tpu.memory_space<hbm>>
      %dma_start3A_10 = arith.constant 0 : i32
      %dma_start3A_11 = tpu.memref_slice %arg8[%mul3A_2, %dma_start3A_10] : memref<10240x16xf32, #tpu.memory_space<vmem_shared>> -> memref<640x16xf32, #tpu.memory_space<vmem_shared>>
      tpu.enqueue_dma source(%dma_start3A_11 : memref<640x16xf32, #tpu.memory_space<vmem_shared>>) target(%dma_start3A_9 : memref<640x16xf32, #tpu.memory_space<hbm>>) target_semaphore(%run_scoped3A : memref<!tpu.dma_semaphore, #tpu.memory_space<semaphore_mem>>)
      %dma_wait3A = arith.constant 0 : i32
      %dma_wait3A_12 = tpu.memref_slice %arg5[%arg0, %mul3A_2, %dma_wait3A] : memref<2x10240x16xf32, #tpu.memory_space<hbm>> -> memref<1x640x16xf32, #tpu.memory_space<hbm>>
      %dma_wait3A_13 = tpu.memref_squeeze %dma_wait3A_12 : memref<1x640x16xf32, #tpu.memory_space<hbm>> -> memref<640x16xf32, #tpu.memory_space<hbm>>
      %dma_wait3A_14 = arith.constant 0 : i32
      %dma_wait3A_15 = tpu.memref_slice %arg8[%mul3A_2, %dma_wait3A_14] : memref<10240x16xf32, #tpu.memory_space<vmem_shared>> -> memref<640x16xf32, #tpu.memory_space<vmem_shared>>
      tpu.wait_dma2 semaphore(%run_scoped3A : memref<!tpu.dma_semaphore, #tpu.memory_space<semaphore_mem>>) src(%dma_wait3A_15 : memref<640x16xf32, #tpu.memory_space<vmem_shared>>) dst(%dma_wait3A_13 : memref<640x16xf32, #tpu.memory_space<hbm>>)
      tpu.yield
    }) : () -> ()
    return
  }
}

#map = affine_map<(d0, d1) -> (0, 0)>
#map1 = affine_map<(d0, d1) -> (0, 0, 0)>
module attributes {stable_mosaic.version = 14 : i64} {
  func.func @_sc_agg_body(%arg0: i32, %arg1: i32, %arg2: memref<10000x128xf32, #tpu.memory_space<hbm>>, %arg3: memref<32x128x80xi32, #tpu.memory_space<hbm>>, %arg4: memref<32x128x80xi32, #tpu.memory_space<hbm>>, %arg5: memref<10240x128xf32, #tpu.memory_space<hbm>>, %arg6: memref<2x10240x128xf32, #tpu.memory_space<hbm>>, %arg7: memref<128x80xi32, #tpu.memory_space<vmem>>, %arg8: memref<128x80xi32, #tpu.memory_space<vmem>>, %arg9: memref<80x128xf32, #tpu.memory_space<vmem>>, %arg10: memref<10240x128xf32, #tpu.memory_space<vmem_shared>>, %arg11: memref<!tpu.dma_semaphore, #tpu.memory_space<semaphore_mem>>) attributes {dimension_semantics = [#tpu.dimension_semantics<core_parallel>, #tpu.dimension_semantics<subcore_parallel>], iteration_bounds = array<i64: 2, 16>, scalar_prefetch = 0 : i64, scratch_operands = 5 : i64, tpu.core_type = #tpu.core_type<sc_vector_subcore>, window_params = [{transform_indices = #map}, {transform_indices = #map1}, {transform_indices = #map1}, {transform_indices = #map}, {transform_indices = #map1}]} {
    %mul3A = arith.constant 16 : i32
    %mul3A_0 = arith.muli %arg0, %mul3A : i32
    %add3A = arith.addi %mul3A_0, %arg1 : i32
    %mul3A_1 = arith.constant 640 : i32
    %mul3A_2 = arith.muli %arg1, %mul3A_1 : i32
    "tpu.region"() ({
      %run_scoped3A = tpu.sem_alloc : memref<!tpu.dma_semaphore, #tpu.memory_space<semaphore_mem>>
      %dma_start3A = arith.constant 0 : i32
      %dma_start3A_8 = arith.constant 0 : i32
      %dma_start3A_9 = tpu.memref_slice %arg3[%add3A, %dma_start3A, %dma_start3A_8] : memref<32x128x80xi32, #tpu.memory_space<hbm>> -> memref<1x128x80xi32, #tpu.memory_space<hbm>>
      %dma_start3A_10 = tpu.memref_squeeze %dma_start3A_9 : memref<1x128x80xi32, #tpu.memory_space<hbm>> -> memref<128x80xi32, #tpu.memory_space<hbm>>
      %dma_start3A_11 = arith.constant 0 : i32
      %dma_start3A_12 = arith.constant 0 : i32
      %dma_start3A_13 = tpu.memref_slice %arg3[%add3A, %dma_start3A_11, %dma_start3A_12] : memref<32x128x80xi32, #tpu.memory_space<hbm>> -> memref<1x128x80xi32, #tpu.memory_space<hbm>>
      %dma_start3A_14 = tpu.memref_squeeze %dma_start3A_13 : memref<1x128x80xi32, #tpu.memory_space<hbm>> -> memref<128x80xi32, #tpu.memory_space<hbm>>
      tpu.enqueue_dma source(%dma_start3A_14 : memref<128x80xi32, #tpu.memory_space<hbm>>) target(%arg7 : memref<128x80xi32, #tpu.memory_space<vmem>>) target_semaphore(%run_scoped3A : memref<!tpu.dma_semaphore, #tpu.memory_space<semaphore_mem>>)
      %dma_wait3A = arith.constant 0 : i32
      %dma_wait3A_15 = arith.constant 0 : i32
      %dma_wait3A_16 = tpu.memref_slice %arg3[%add3A, %dma_wait3A, %dma_wait3A_15] : memref<32x128x80xi32, #tpu.memory_space<hbm>> -> memref<1x128x80xi32, #tpu.memory_space<hbm>>
      %dma_wait3A_17 = tpu.memref_squeeze %dma_wait3A_16 : memref<1x128x80xi32, #tpu.memory_space<hbm>> -> memref<128x80xi32, #tpu.memory_space<hbm>>
      %dma_wait3A_18 = arith.constant 0 : i32
      %dma_wait3A_19 = arith.constant 0 : i32
      %dma_wait3A_20 = tpu.memref_slice %arg3[%add3A, %dma_wait3A_18, %dma_wait3A_19] : memref<32x128x80xi32, #tpu.memory_space<hbm>> -> memref<1x128x80xi32, #tpu.memory_space<hbm>>
      %dma_wait3A_21 = tpu.memref_squeeze %dma_wait3A_20 : memref<1x128x80xi32, #tpu.memory_space<hbm>> -> memref<128x80xi32, #tpu.memory_space<hbm>>
      tpu.wait_dma2 semaphore(%run_scoped3A : memref<!tpu.dma_semaphore, #tpu.memory_space<semaphore_mem>>) src(%dma_wait3A_21 : memref<128x80xi32, #tpu.memory_space<hbm>>) dst(%arg7 : memref<128x80xi32, #tpu.memory_space<vmem>>)
      tpu.yield
    }) : () -> ()
    "tpu.region"() ({
      %run_scoped3A = tpu.sem_alloc : memref<!tpu.dma_semaphore, #tpu.memory_space<semaphore_mem>>
      %dma_start3A = arith.constant 0 : i32
      %dma_start3A_8 = arith.constant 0 : i32
      %dma_start3A_9 = tpu.memref_slice %arg4[%add3A, %dma_start3A, %dma_start3A_8] : memref<32x128x80xi32, #tpu.memory_space<hbm>> -> memref<1x128x80xi32, #tpu.memory_space<hbm>>
      %dma_start3A_10 = tpu.memref_squeeze %dma_start3A_9 : memref<1x128x80xi32, #tpu.memory_space<hbm>> -> memref<128x80xi32, #tpu.memory_space<hbm>>
      %dma_start3A_11 = arith.constant 0 : i32
      %dma_start3A_12 = arith.constant 0 : i32
      %dma_start3A_13 = tpu.memref_slice %arg4[%add3A, %dma_start3A_11, %dma_start3A_12] : memref<32x128x80xi32, #tpu.memory_space<hbm>> -> memref<1x128x80xi32, #tpu.memory_space<hbm>>
      %dma_start3A_14 = tpu.memref_squeeze %dma_start3A_13 : memref<1x128x80xi32, #tpu.memory_space<hbm>> -> memref<128x80xi32, #tpu.memory_space<hbm>>
      tpu.enqueue_dma source(%dma_start3A_14 : memref<128x80xi32, #tpu.memory_space<hbm>>) target(%arg8 : memref<128x80xi32, #tpu.memory_space<vmem>>) target_semaphore(%run_scoped3A : memref<!tpu.dma_semaphore, #tpu.memory_space<semaphore_mem>>)
      %dma_wait3A = arith.constant 0 : i32
      %dma_wait3A_15 = arith.constant 0 : i32
      %dma_wait3A_16 = tpu.memref_slice %arg4[%add3A, %dma_wait3A, %dma_wait3A_15] : memref<32x128x80xi32, #tpu.memory_space<hbm>> -> memref<1x128x80xi32, #tpu.memory_space<hbm>>
      %dma_wait3A_17 = tpu.memref_squeeze %dma_wait3A_16 : memref<1x128x80xi32, #tpu.memory_space<hbm>> -> memref<128x80xi32, #tpu.memory_space<hbm>>
      %dma_wait3A_18 = arith.constant 0 : i32
      %dma_wait3A_19 = arith.constant 0 : i32
      %dma_wait3A_20 = tpu.memref_slice %arg4[%add3A, %dma_wait3A_18, %dma_wait3A_19] : memref<32x128x80xi32, #tpu.memory_space<hbm>> -> memref<1x128x80xi32, #tpu.memory_space<hbm>>
      %dma_wait3A_21 = tpu.memref_squeeze %dma_wait3A_20 : memref<1x128x80xi32, #tpu.memory_space<hbm>> -> memref<128x80xi32, #tpu.memory_space<hbm>>
      tpu.wait_dma2 semaphore(%run_scoped3A : memref<!tpu.dma_semaphore, #tpu.memory_space<semaphore_mem>>) src(%dma_wait3A_21 : memref<128x80xi32, #tpu.memory_space<hbm>>) dst(%arg8 : memref<128x80xi32, #tpu.memory_space<vmem>>)
      tpu.yield
    }) : () -> ()
    "tpu.region"() ({
      %run_scoped3A = tpu.sem_alloc : memref<!tpu.dma_semaphore, #tpu.memory_space<semaphore_mem>>
      %dma_start3A = arith.constant 0 : i32
      %dma_start3A_8 = tpu.memref_slice %arg10[%mul3A_2, %dma_start3A] : memref<10240x128xf32, #tpu.memory_space<vmem_shared>> -> memref<640x128xf32, #tpu.memory_space<vmem_shared>>
      %dma_start3A_9 = arith.constant 0 : i32
      %dma_start3A_10 = tpu.memref_slice %arg5[%mul3A_2, %dma_start3A_9] : memref<10240x128xf32, #tpu.memory_space<hbm>> -> memref<640x128xf32, #tpu.memory_space<hbm>>
      tpu.enqueue_dma source(%dma_start3A_10 : memref<640x128xf32, #tpu.memory_space<hbm>>) target(%dma_start3A_8 : memref<640x128xf32, #tpu.memory_space<vmem_shared>>) target_semaphore(%run_scoped3A : memref<!tpu.dma_semaphore, #tpu.memory_space<semaphore_mem>>)
      %dma_wait3A = arith.constant 0 : i32
      %dma_wait3A_11 = tpu.memref_slice %arg10[%mul3A_2, %dma_wait3A] : memref<10240x128xf32, #tpu.memory_space<vmem_shared>> -> memref<640x128xf32, #tpu.memory_space<vmem_shared>>
      %dma_wait3A_12 = arith.constant 0 : i32
      %dma_wait3A_13 = tpu.memref_slice %arg5[%mul3A_2, %dma_wait3A_12] : memref<10240x128xf32, #tpu.memory_space<hbm>> -> memref<640x128xf32, #tpu.memory_space<hbm>>
      tpu.wait_dma2 semaphore(%run_scoped3A : memref<!tpu.dma_semaphore, #tpu.memory_space<semaphore_mem>>) src(%dma_wait3A_13 : memref<640x128xf32, #tpu.memory_space<hbm>>) dst(%dma_wait3A_11 : memref<640x128xf32, #tpu.memory_space<vmem_shared>>)
      tpu.yield
    }) : () -> ()
    %barrier3A = arith.constant 0 : index
    tpu.barrier barrier_id(%barrier3A)
    %scan3A = arith.constant 0 : i32
    %scan3A_3 = arith.constant 128 : i32
    %scan3A_4 = arith.addi %scan3A, %scan3A_3 : i32
    %scan3A_5 = arith.constant 1 : i32
    scf.for %scan3A_8 = %scan3A to %scan3A_4 step %scan3A_5  : i32 {
      %mul3A_9 = arith.constant 1 : i32
      %mul3A_10 = arith.muli %scan3A_8, %mul3A_9 : i32
      %add3A_11 = arith.constant 0 : i32
      %add3A_12 = arith.addi %add3A_11, %mul3A_10 : i32
      %dma_start3A = arith.constant 0 : i32
      %dma_start3A_13 = tpu.memref_slice %arg7[%add3A_12, %dma_start3A] : memref<128x80xi32, #tpu.memory_space<vmem>> -> memref<1x80xi32, #tpu.memory_space<vmem>>
      %dma_start3A_14 = tpu.memref_squeeze %dma_start3A_13 : memref<1x80xi32, #tpu.memory_space<vmem>> -> memref<80xi32, #tpu.memory_space<vmem>>
      %dma_start3A_15 = arith.constant 0 : i32
      %dma_start3A_16 = arith.constant 0 : i32
      %dma_start3A_17 = tpu.memref_slice %arg2[%dma_start3A_15, %dma_start3A_16] : memref<10000x128xf32, #tpu.memory_space<hbm>> -> memref<10000x128xf32, #tpu.memory_space<hbm>>
      tpu.enqueue_indirect_dma source(%dma_start3A_17 : memref<10000x128xf32, #tpu.memory_space<hbm>>) target(%arg9 : memref<80x128xf32, #tpu.memory_space<vmem>>) offsets(%dma_start3A_14 : memref<80xi32, #tpu.memory_space<vmem>>) semaphore(%arg11 : memref<!tpu.dma_semaphore, #tpu.memory_space<semaphore_mem>>)
      %dma_wait3A = arith.constant 0 : i32
      %dma_wait3A_18 = tpu.memref_slice %arg7[%add3A_12, %dma_wait3A] : memref<128x80xi32, #tpu.memory_space<vmem>> -> memref<1x80xi32, #tpu.memory_space<vmem>>
      %dma_wait3A_19 = tpu.memref_squeeze %dma_wait3A_18 : memref<1x80xi32, #tpu.memory_space<vmem>> -> memref<80xi32, #tpu.memory_space<vmem>>
      %dma_wait3A_20 = arith.constant 0 : i32
      %dma_wait3A_21 = arith.constant 0 : i32
      %dma_wait3A_22 = tpu.memref_slice %arg2[%dma_wait3A_20, %dma_wait3A_21] : memref<10000x128xf32, #tpu.memory_space<hbm>> -> memref<10000x128xf32, #tpu.memory_space<hbm>>
      tpu.wait_indirect_dma semaphore(%arg11 : memref<!tpu.dma_semaphore, #tpu.memory_space<semaphore_mem>>) src(%dma_wait3A_22 : memref<10000x128xf32, #tpu.memory_space<hbm>>) dst(%arg9 : memref<80x128xf32, #tpu.memory_space<vmem>>)
      "tpu.region"() ({
        %run_scoped3A = tpu.sem_alloc : memref<!tpu.dma_semaphore, #tpu.memory_space<semaphore_mem>>
        %dma_start3A_23 = arith.constant 0 : i32
        %dma_start3A_24 = tpu.memref_slice %arg8[%add3A_12, %dma_start3A_23] : memref<128x80xi32, #tpu.memory_space<vmem>> -> memref<1x80xi32, #tpu.memory_space<vmem>>
        %dma_start3A_25 = tpu.memref_squeeze %dma_start3A_24 : memref<1x80xi32, #tpu.memory_space<vmem>> -> memref<80xi32, #tpu.memory_space<vmem>>
        %dma_start3A_26 = arith.constant 0 : i32
        %dma_start3A_27 = arith.constant 0 : i32
        %dma_start3A_28 = tpu.memref_slice %arg10[%dma_start3A_26, %dma_start3A_27] : memref<10240x128xf32, #tpu.memory_space<vmem_shared>> -> memref<10240x128xf32, #tpu.memory_space<vmem_shared>>
        tpu.enqueue_indirect_dma source(%arg9 : memref<80x128xf32, #tpu.memory_space<vmem>>) target(%dma_start3A_28 : memref<10240x128xf32, #tpu.memory_space<vmem_shared>>) offsets(%dma_start3A_25 : memref<80xi32, #tpu.memory_space<vmem>>) semaphore(%run_scoped3A : memref<!tpu.dma_semaphore, #tpu.memory_space<semaphore_mem>>) {add = true}
        %dma_wait3A_29 = arith.constant 0 : i32
        %dma_wait3A_30 = tpu.memref_slice %arg8[%add3A_12, %dma_wait3A_29] : memref<128x80xi32, #tpu.memory_space<vmem>> -> memref<1x80xi32, #tpu.memory_space<vmem>>
        %dma_wait3A_31 = tpu.memref_squeeze %dma_wait3A_30 : memref<1x80xi32, #tpu.memory_space<vmem>> -> memref<80xi32, #tpu.memory_space<vmem>>
        %dma_wait3A_32 = arith.constant 0 : i32
        %dma_wait3A_33 = arith.constant 0 : i32
        %dma_wait3A_34 = tpu.memref_slice %arg10[%dma_wait3A_32, %dma_wait3A_33] : memref<10240x128xf32, #tpu.memory_space<vmem_shared>> -> memref<10240x128xf32, #tpu.memory_space<vmem_shared>>
        tpu.wait_indirect_dma semaphore(%run_scoped3A : memref<!tpu.dma_semaphore, #tpu.memory_space<semaphore_mem>>) src(%arg9 : memref<80x128xf32, #tpu.memory_space<vmem>>) dst(%dma_wait3A_34 : memref<10240x128xf32, #tpu.memory_space<vmem_shared>>)
        tpu.yield
      }) : () -> ()
    }
    %scan3A_6 = arith.constant 128 : i32
    %barrier3A_7 = arith.constant 0 : index
    tpu.barrier barrier_id(%barrier3A_7)
    "tpu.region"() ({
      %run_scoped3A = tpu.sem_alloc : memref<!tpu.dma_semaphore, #tpu.memory_space<semaphore_mem>>
      %dma_start3A = arith.constant 0 : i32
      %dma_start3A_8 = tpu.memref_slice %arg6[%arg0, %mul3A_2, %dma_start3A] : memref<2x10240x128xf32, #tpu.memory_space<hbm>> -> memref<1x640x128xf32, #tpu.memory_space<hbm>>
      %dma_start3A_9 = tpu.memref_squeeze %dma_start3A_8 : memref<1x640x128xf32, #tpu.memory_space<hbm>> -> memref<640x128xf32, #tpu.memory_space<hbm>>
      %dma_start3A_10 = arith.constant 0 : i32
      %dma_start3A_11 = tpu.memref_slice %arg10[%mul3A_2, %dma_start3A_10] : memref<10240x128xf32, #tpu.memory_space<vmem_shared>> -> memref<640x128xf32, #tpu.memory_space<vmem_shared>>
      tpu.enqueue_dma source(%dma_start3A_11 : memref<640x128xf32, #tpu.memory_space<vmem_shared>>) target(%dma_start3A_9 : memref<640x128xf32, #tpu.memory_space<hbm>>) target_semaphore(%run_scoped3A : memref<!tpu.dma_semaphore, #tpu.memory_space<semaphore_mem>>)
      %dma_wait3A = arith.constant 0 : i32
      %dma_wait3A_12 = tpu.memref_slice %arg6[%arg0, %mul3A_2, %dma_wait3A] : memref<2x10240x128xf32, #tpu.memory_space<hbm>> -> memref<1x640x128xf32, #tpu.memory_space<hbm>>
      %dma_wait3A_13 = tpu.memref_squeeze %dma_wait3A_12 : memref<1x640x128xf32, #tpu.memory_space<hbm>> -> memref<640x128xf32, #tpu.memory_space<hbm>>
      %dma_wait3A_14 = arith.constant 0 : i32
      %dma_wait3A_15 = tpu.memref_slice %arg10[%mul3A_2, %dma_wait3A_14] : memref<10240x128xf32, #tpu.memory_space<vmem_shared>> -> memref<640x128xf32, #tpu.memory_space<vmem_shared>>
      tpu.wait_dma2 semaphore(%run_scoped3A : memref<!tpu.dma_semaphore, #tpu.memory_space<semaphore_mem>>) src(%dma_wait3A_15 : memref<640x128xf32, #tpu.memory_space<vmem_shared>>) dst(%dma_wait3A_13 : memref<640x128xf32, #tpu.memory_space<hbm>>)
      tpu.yield
    }) : () -> ()
    return
  }
}

#map = affine_map<(d0, d1) -> (0, 0)>
#map1 = affine_map<(d0, d1) -> (0, 0, 0)>
module attributes {stable_mosaic.version = 14 : i64} {
  func.func @_sc_agg_body(%arg0: i32, %arg1: i32, %arg2: memref<10000x128xf32, #tpu.memory_space<hbm>>, %arg3: memref<32x128x80xi32, #tpu.memory_space<hbm>>, %arg4: memref<32x128x80xi32, #tpu.memory_space<hbm>>, %arg5: memref<10240x128xf32, #tpu.memory_space<hbm>>, %arg6: memref<2x10240x128xf32, #tpu.memory_space<hbm>>, %arg7: memref<128x80xi32, #tpu.memory_space<vmem>>, %arg8: memref<128x80xi32, #tpu.memory_space<vmem>>, %arg9: memref<80x128xf32, #tpu.memory_space<vmem>>, %arg10: memref<10240x128xf32, #tpu.memory_space<vmem_shared>>, %arg11: memref<!tpu.dma_semaphore, #tpu.memory_space<semaphore_mem>>) attributes {dimension_semantics = [#tpu.dimension_semantics<core_parallel>, #tpu.dimension_semantics<subcore_parallel>], iteration_bounds = array<i64: 2, 16>, scalar_prefetch = 0 : i64, scratch_operands = 5 : i64, tpu.core_type = #tpu.core_type<sc_vector_subcore>, window_params = [{transform_indices = #map}, {transform_indices = #map1}, {transform_indices = #map1}, {transform_indices = #map}, {transform_indices = #map1}]} {
    %mul3A = arith.constant 16 : i32
    %mul3A_0 = arith.muli %arg0, %mul3A : i32
    %add3A = arith.addi %mul3A_0, %arg1 : i32
    %mul3A_1 = arith.constant 640 : i32
    %mul3A_2 = arith.muli %arg1, %mul3A_1 : i32
    "tpu.region"() ({
      %run_scoped3A = tpu.sem_alloc : memref<!tpu.dma_semaphore, #tpu.memory_space<semaphore_mem>>
      %dma_start3A = arith.constant 0 : i32
      %dma_start3A_8 = arith.constant 0 : i32
      %dma_start3A_9 = tpu.memref_slice %arg3[%add3A, %dma_start3A, %dma_start3A_8] : memref<32x128x80xi32, #tpu.memory_space<hbm>> -> memref<1x128x80xi32, #tpu.memory_space<hbm>>
      %dma_start3A_10 = tpu.memref_squeeze %dma_start3A_9 : memref<1x128x80xi32, #tpu.memory_space<hbm>> -> memref<128x80xi32, #tpu.memory_space<hbm>>
      %dma_start3A_11 = arith.constant 0 : i32
      %dma_start3A_12 = arith.constant 0 : i32
      %dma_start3A_13 = tpu.memref_slice %arg3[%add3A, %dma_start3A_11, %dma_start3A_12] : memref<32x128x80xi32, #tpu.memory_space<hbm>> -> memref<1x128x80xi32, #tpu.memory_space<hbm>>
      %dma_start3A_14 = tpu.memref_squeeze %dma_start3A_13 : memref<1x128x80xi32, #tpu.memory_space<hbm>> -> memref<128x80xi32, #tpu.memory_space<hbm>>
      tpu.enqueue_dma source(%dma_start3A_14 : memref<128x80xi32, #tpu.memory_space<hbm>>) target(%arg7 : memref<128x80xi32, #tpu.memory_space<vmem>>) target_semaphore(%run_scoped3A : memref<!tpu.dma_semaphore, #tpu.memory_space<semaphore_mem>>)
      %dma_wait3A = arith.constant 0 : i32
      %dma_wait3A_15 = arith.constant 0 : i32
      %dma_wait3A_16 = tpu.memref_slice %arg3[%add3A, %dma_wait3A, %dma_wait3A_15] : memref<32x128x80xi32, #tpu.memory_space<hbm>> -> memref<1x128x80xi32, #tpu.memory_space<hbm>>
      %dma_wait3A_17 = tpu.memref_squeeze %dma_wait3A_16 : memref<1x128x80xi32, #tpu.memory_space<hbm>> -> memref<128x80xi32, #tpu.memory_space<hbm>>
      %dma_wait3A_18 = arith.constant 0 : i32
      %dma_wait3A_19 = arith.constant 0 : i32
      %dma_wait3A_20 = tpu.memref_slice %arg3[%add3A, %dma_wait3A_18, %dma_wait3A_19] : memref<32x128x80xi32, #tpu.memory_space<hbm>> -> memref<1x128x80xi32, #tpu.memory_space<hbm>>
      %dma_wait3A_21 = tpu.memref_squeeze %dma_wait3A_20 : memref<1x128x80xi32, #tpu.memory_space<hbm>> -> memref<128x80xi32, #tpu.memory_space<hbm>>
      tpu.wait_dma2 semaphore(%run_scoped3A : memref<!tpu.dma_semaphore, #tpu.memory_space<semaphore_mem>>) src(%dma_wait3A_21 : memref<128x80xi32, #tpu.memory_space<hbm>>) dst(%arg7 : memref<128x80xi32, #tpu.memory_space<vmem>>)
      tpu.yield
    }) : () -> ()
    "tpu.region"() ({
      %run_scoped3A = tpu.sem_alloc : memref<!tpu.dma_semaphore, #tpu.memory_space<semaphore_mem>>
      %dma_start3A = arith.constant 0 : i32
      %dma_start3A_8 = arith.constant 0 : i32
      %dma_start3A_9 = tpu.memref_slice %arg4[%add3A, %dma_start3A, %dma_start3A_8] : memref<32x128x80xi32, #tpu.memory_space<hbm>> -> memref<1x128x80xi32, #tpu.memory_space<hbm>>
      %dma_start3A_10 = tpu.memref_squeeze %dma_start3A_9 : memref<1x128x80xi32, #tpu.memory_space<hbm>> -> memref<128x80xi32, #tpu.memory_space<hbm>>
      %dma_start3A_11 = arith.constant 0 : i32
      %dma_start3A_12 = arith.constant 0 : i32
      %dma_start3A_13 = tpu.memref_slice %arg4[%add3A, %dma_start3A_11, %dma_start3A_12] : memref<32x128x80xi32, #tpu.memory_space<hbm>> -> memref<1x128x80xi32, #tpu.memory_space<hbm>>
      %dma_start3A_14 = tpu.memref_squeeze %dma_start3A_13 : memref<1x128x80xi32, #tpu.memory_space<hbm>> -> memref<128x80xi32, #tpu.memory_space<hbm>>
      tpu.enqueue_dma source(%dma_start3A_14 : memref<128x80xi32, #tpu.memory_space<hbm>>) target(%arg8 : memref<128x80xi32, #tpu.memory_space<vmem>>) target_semaphore(%run_scoped3A : memref<!tpu.dma_semaphore, #tpu.memory_space<semaphore_mem>>)
      %dma_wait3A = arith.constant 0 : i32
      %dma_wait3A_15 = arith.constant 0 : i32
      %dma_wait3A_16 = tpu.memref_slice %arg4[%add3A, %dma_wait3A, %dma_wait3A_15] : memref<32x128x80xi32, #tpu.memory_space<hbm>> -> memref<1x128x80xi32, #tpu.memory_space<hbm>>
      %dma_wait3A_17 = tpu.memref_squeeze %dma_wait3A_16 : memref<1x128x80xi32, #tpu.memory_space<hbm>> -> memref<128x80xi32, #tpu.memory_space<hbm>>
      %dma_wait3A_18 = arith.constant 0 : i32
      %dma_wait3A_19 = arith.constant 0 : i32
      %dma_wait3A_20 = tpu.memref_slice %arg4[%add3A, %dma_wait3A_18, %dma_wait3A_19] : memref<32x128x80xi32, #tpu.memory_space<hbm>> -> memref<1x128x80xi32, #tpu.memory_space<hbm>>
      %dma_wait3A_21 = tpu.memref_squeeze %dma_wait3A_20 : memref<1x128x80xi32, #tpu.memory_space<hbm>> -> memref<128x80xi32, #tpu.memory_space<hbm>>
      tpu.wait_dma2 semaphore(%run_scoped3A : memref<!tpu.dma_semaphore, #tpu.memory_space<semaphore_mem>>) src(%dma_wait3A_21 : memref<128x80xi32, #tpu.memory_space<hbm>>) dst(%arg8 : memref<128x80xi32, #tpu.memory_space<vmem>>)
      tpu.yield
    }) : () -> ()
    "tpu.region"() ({
      %run_scoped3A = tpu.sem_alloc : memref<!tpu.dma_semaphore, #tpu.memory_space<semaphore_mem>>
      %dma_start3A = arith.constant 0 : i32
      %dma_start3A_8 = tpu.memref_slice %arg10[%mul3A_2, %dma_start3A] : memref<10240x128xf32, #tpu.memory_space<vmem_shared>> -> memref<640x128xf32, #tpu.memory_space<vmem_shared>>
      %dma_start3A_9 = arith.constant 0 : i32
      %dma_start3A_10 = tpu.memref_slice %arg5[%mul3A_2, %dma_start3A_9] : memref<10240x128xf32, #tpu.memory_space<hbm>> -> memref<640x128xf32, #tpu.memory_space<hbm>>
      tpu.enqueue_dma source(%dma_start3A_10 : memref<640x128xf32, #tpu.memory_space<hbm>>) target(%dma_start3A_8 : memref<640x128xf32, #tpu.memory_space<vmem_shared>>) target_semaphore(%run_scoped3A : memref<!tpu.dma_semaphore, #tpu.memory_space<semaphore_mem>>)
      %dma_wait3A = arith.constant 0 : i32
      %dma_wait3A_11 = tpu.memref_slice %arg10[%mul3A_2, %dma_wait3A] : memref<10240x128xf32, #tpu.memory_space<vmem_shared>> -> memref<640x128xf32, #tpu.memory_space<vmem_shared>>
      %dma_wait3A_12 = arith.constant 0 : i32
      %dma_wait3A_13 = tpu.memref_slice %arg5[%mul3A_2, %dma_wait3A_12] : memref<10240x128xf32, #tpu.memory_space<hbm>> -> memref<640x128xf32, #tpu.memory_space<hbm>>
      tpu.wait_dma2 semaphore(%run_scoped3A : memref<!tpu.dma_semaphore, #tpu.memory_space<semaphore_mem>>) src(%dma_wait3A_13 : memref<640x128xf32, #tpu.memory_space<hbm>>) dst(%dma_wait3A_11 : memref<640x128xf32, #tpu.memory_space<vmem_shared>>)
      tpu.yield
    }) : () -> ()
    %barrier3A = arith.constant 0 : index
    tpu.barrier barrier_id(%barrier3A)
    %scan3A = arith.constant 0 : i32
    %scan3A_3 = arith.constant 128 : i32
    %scan3A_4 = arith.addi %scan3A, %scan3A_3 : i32
    %scan3A_5 = arith.constant 1 : i32
    scf.for %scan3A_8 = %scan3A to %scan3A_4 step %scan3A_5  : i32 {
      %mul3A_9 = arith.constant 1 : i32
      %mul3A_10 = arith.muli %scan3A_8, %mul3A_9 : i32
      %add3A_11 = arith.constant 0 : i32
      %add3A_12 = arith.addi %add3A_11, %mul3A_10 : i32
      %dma_start3A = arith.constant 0 : i32
      %dma_start3A_13 = tpu.memref_slice %arg7[%add3A_12, %dma_start3A] : memref<128x80xi32, #tpu.memory_space<vmem>> -> memref<1x80xi32, #tpu.memory_space<vmem>>
      %dma_start3A_14 = tpu.memref_squeeze %dma_start3A_13 : memref<1x80xi32, #tpu.memory_space<vmem>> -> memref<80xi32, #tpu.memory_space<vmem>>
      %dma_start3A_15 = arith.constant 0 : i32
      %dma_start3A_16 = arith.constant 0 : i32
      %dma_start3A_17 = tpu.memref_slice %arg2[%dma_start3A_15, %dma_start3A_16] : memref<10000x128xf32, #tpu.memory_space<hbm>> -> memref<10000x128xf32, #tpu.memory_space<hbm>>
      tpu.enqueue_indirect_dma source(%dma_start3A_17 : memref<10000x128xf32, #tpu.memory_space<hbm>>) target(%arg9 : memref<80x128xf32, #tpu.memory_space<vmem>>) offsets(%dma_start3A_14 : memref<80xi32, #tpu.memory_space<vmem>>) semaphore(%arg11 : memref<!tpu.dma_semaphore, #tpu.memory_space<semaphore_mem>>)
      %dma_wait3A = arith.constant 0 : i32
      %dma_wait3A_18 = tpu.memref_slice %arg7[%add3A_12, %dma_wait3A] : memref<128x80xi32, #tpu.memory_space<vmem>> -> memref<1x80xi32, #tpu.memory_space<vmem>>
      %dma_wait3A_19 = tpu.memref_squeeze %dma_wait3A_18 : memref<1x80xi32, #tpu.memory_space<vmem>> -> memref<80xi32, #tpu.memory_space<vmem>>
      %dma_wait3A_20 = arith.constant 0 : i32
      %dma_wait3A_21 = arith.constant 0 : i32
      %dma_wait3A_22 = tpu.memref_slice %arg2[%dma_wait3A_20, %dma_wait3A_21] : memref<10000x128xf32, #tpu.memory_space<hbm>> -> memref<10000x128xf32, #tpu.memory_space<hbm>>
      tpu.wait_indirect_dma semaphore(%arg11 : memref<!tpu.dma_semaphore, #tpu.memory_space<semaphore_mem>>) src(%dma_wait3A_22 : memref<10000x128xf32, #tpu.memory_space<hbm>>) dst(%arg9 : memref<80x128xf32, #tpu.memory_space<vmem>>)
      "tpu.region"() ({
        %run_scoped3A = tpu.sem_alloc : memref<!tpu.dma_semaphore, #tpu.memory_space<semaphore_mem>>
        %dma_start3A_23 = arith.constant 0 : i32
        %dma_start3A_24 = tpu.memref_slice %arg8[%add3A_12, %dma_start3A_23] : memref<128x80xi32, #tpu.memory_space<vmem>> -> memref<1x80xi32, #tpu.memory_space<vmem>>
        %dma_start3A_25 = tpu.memref_squeeze %dma_start3A_24 : memref<1x80xi32, #tpu.memory_space<vmem>> -> memref<80xi32, #tpu.memory_space<vmem>>
        %dma_start3A_26 = arith.constant 0 : i32
        %dma_start3A_27 = arith.constant 0 : i32
        %dma_start3A_28 = tpu.memref_slice %arg10[%dma_start3A_26, %dma_start3A_27] : memref<10240x128xf32, #tpu.memory_space<vmem_shared>> -> memref<10240x128xf32, #tpu.memory_space<vmem_shared>>
        tpu.enqueue_indirect_dma source(%arg9 : memref<80x128xf32, #tpu.memory_space<vmem>>) target(%dma_start3A_28 : memref<10240x128xf32, #tpu.memory_space<vmem_shared>>) offsets(%dma_start3A_25 : memref<80xi32, #tpu.memory_space<vmem>>) semaphore(%run_scoped3A : memref<!tpu.dma_semaphore, #tpu.memory_space<semaphore_mem>>) {add = true}
        %dma_wait3A_29 = arith.constant 0 : i32
        %dma_wait3A_30 = tpu.memref_slice %arg8[%add3A_12, %dma_wait3A_29] : memref<128x80xi32, #tpu.memory_space<vmem>> -> memref<1x80xi32, #tpu.memory_space<vmem>>
        %dma_wait3A_31 = tpu.memref_squeeze %dma_wait3A_30 : memref<1x80xi32, #tpu.memory_space<vmem>> -> memref<80xi32, #tpu.memory_space<vmem>>
        %dma_wait3A_32 = arith.constant 0 : i32
        %dma_wait3A_33 = arith.constant 0 : i32
        %dma_wait3A_34 = tpu.memref_slice %arg10[%dma_wait3A_32, %dma_wait3A_33] : memref<10240x128xf32, #tpu.memory_space<vmem_shared>> -> memref<10240x128xf32, #tpu.memory_space<vmem_shared>>
        tpu.wait_indirect_dma semaphore(%run_scoped3A : memref<!tpu.dma_semaphore, #tpu.memory_space<semaphore_mem>>) src(%arg9 : memref<80x128xf32, #tpu.memory_space<vmem>>) dst(%dma_wait3A_34 : memref<10240x128xf32, #tpu.memory_space<vmem_shared>>)
        tpu.yield
      }) : () -> ()
    }
    %scan3A_6 = arith.constant 128 : i32
    %barrier3A_7 = arith.constant 0 : index
    tpu.barrier barrier_id(%barrier3A_7)
    "tpu.region"() ({
      %run_scoped3A = tpu.sem_alloc : memref<!tpu.dma_semaphore, #tpu.memory_space<semaphore_mem>>
      %dma_start3A = arith.constant 0 : i32
      %dma_start3A_8 = tpu.memref_slice %arg6[%arg0, %mul3A_2, %dma_start3A] : memref<2x10240x128xf32, #tpu.memory_space<hbm>> -> memref<1x640x128xf32, #tpu.memory_space<hbm>>
      %dma_start3A_9 = tpu.memref_squeeze %dma_start3A_8 : memref<1x640x128xf32, #tpu.memory_space<hbm>> -> memref<640x128xf32, #tpu.memory_space<hbm>>
      %dma_start3A_10 = arith.constant 0 : i32
      %dma_start3A_11 = tpu.memref_slice %arg10[%mul3A_2, %dma_start3A_10] : memref<10240x128xf32, #tpu.memory_space<vmem_shared>> -> memref<640x128xf32, #tpu.memory_space<vmem_shared>>
      tpu.enqueue_dma source(%dma_start3A_11 : memref<640x128xf32, #tpu.memory_space<vmem_shared>>) target(%dma_start3A_9 : memref<640x128xf32, #tpu.memory_space<hbm>>) target_semaphore(%run_scoped3A : memref<!tpu.dma_semaphore, #tpu.memory_space<semaphore_mem>>)
      %dma_wait3A = arith.constant 0 : i32
      %dma_wait3A_12 = tpu.memref_slice %arg6[%arg0, %mul3A_2, %dma_wait3A] : memref<2x10240x128xf32, #tpu.memory_space<hbm>> -> memref<1x640x128xf32, #tpu.memory_space<hbm>>
      %dma_wait3A_13 = tpu.memref_squeeze %dma_wait3A_12 : memref<1x640x128xf32, #tpu.memory_space<hbm>> -> memref<640x128xf32, #tpu.memory_space<hbm>>
      %dma_wait3A_14 = arith.constant 0 : i32
      %dma_wait3A_15 = tpu.memref_slice %arg10[%mul3A_2, %dma_wait3A_14] : memref<10240x128xf32, #tpu.memory_space<vmem_shared>> -> memref<640x128xf32, #tpu.memory_space<vmem_shared>>
      tpu.wait_dma2 semaphore(%run_scoped3A : memref<!tpu.dma_semaphore, #tpu.memory_space<semaphore_mem>>) src(%dma_wait3A_15 : memref<640x128xf32, #tpu.memory_space<vmem_shared>>) dst(%dma_wait3A_13 : memref<640x128xf32, #tpu.memory_space<hbm>>)
      tpu.yield
    }) : () -> ()
    return
  }
}

#map = affine_map<(d0, d1) -> (0, 0)>
#map1 = affine_map<(d0, d1) -> (0, 0, 0)>
module attributes {stable_mosaic.version = 14 : i64} {
  func.func @_sc_agg_body(%arg0: i32, %arg1: i32, %arg2: memref<10000x128xf32, #tpu.memory_space<hbm>>, %arg3: memref<32x128x80xi32, #tpu.memory_space<hbm>>, %arg4: memref<32x128x80xi32, #tpu.memory_space<hbm>>, %arg5: memref<10240x128xf32, #tpu.memory_space<hbm>>, %arg6: memref<2x10240x128xf32, #tpu.memory_space<hbm>>, %arg7: memref<128x80xi32, #tpu.memory_space<vmem>>, %arg8: memref<128x80xi32, #tpu.memory_space<vmem>>, %arg9: memref<80x128xf32, #tpu.memory_space<vmem>>, %arg10: memref<10240x128xf32, #tpu.memory_space<vmem_shared>>, %arg11: memref<!tpu.dma_semaphore, #tpu.memory_space<semaphore_mem>>) attributes {dimension_semantics = [#tpu.dimension_semantics<core_parallel>, #tpu.dimension_semantics<subcore_parallel>], iteration_bounds = array<i64: 2, 16>, scalar_prefetch = 0 : i64, scratch_operands = 5 : i64, tpu.core_type = #tpu.core_type<sc_vector_subcore>, window_params = [{transform_indices = #map}, {transform_indices = #map1}, {transform_indices = #map1}, {transform_indices = #map}, {transform_indices = #map1}]} {
    %mul3A = arith.constant 16 : i32
    %mul3A_0 = arith.muli %arg0, %mul3A : i32
    %add3A = arith.addi %mul3A_0, %arg1 : i32
    %mul3A_1 = arith.constant 640 : i32
    %mul3A_2 = arith.muli %arg1, %mul3A_1 : i32
    "tpu.region"() ({
      %run_scoped3A = tpu.sem_alloc : memref<!tpu.dma_semaphore, #tpu.memory_space<semaphore_mem>>
      %dma_start3A = arith.constant 0 : i32
      %dma_start3A_8 = arith.constant 0 : i32
      %dma_start3A_9 = tpu.memref_slice %arg3[%add3A, %dma_start3A, %dma_start3A_8] : memref<32x128x80xi32, #tpu.memory_space<hbm>> -> memref<1x128x80xi32, #tpu.memory_space<hbm>>
      %dma_start3A_10 = tpu.memref_squeeze %dma_start3A_9 : memref<1x128x80xi32, #tpu.memory_space<hbm>> -> memref<128x80xi32, #tpu.memory_space<hbm>>
      %dma_start3A_11 = arith.constant 0 : i32
      %dma_start3A_12 = arith.constant 0 : i32
      %dma_start3A_13 = tpu.memref_slice %arg3[%add3A, %dma_start3A_11, %dma_start3A_12] : memref<32x128x80xi32, #tpu.memory_space<hbm>> -> memref<1x128x80xi32, #tpu.memory_space<hbm>>
      %dma_start3A_14 = tpu.memref_squeeze %dma_start3A_13 : memref<1x128x80xi32, #tpu.memory_space<hbm>> -> memref<128x80xi32, #tpu.memory_space<hbm>>
      tpu.enqueue_dma source(%dma_start3A_14 : memref<128x80xi32, #tpu.memory_space<hbm>>) target(%arg7 : memref<128x80xi32, #tpu.memory_space<vmem>>) target_semaphore(%run_scoped3A : memref<!tpu.dma_semaphore, #tpu.memory_space<semaphore_mem>>)
      %dma_wait3A = arith.constant 0 : i32
      %dma_wait3A_15 = arith.constant 0 : i32
      %dma_wait3A_16 = tpu.memref_slice %arg3[%add3A, %dma_wait3A, %dma_wait3A_15] : memref<32x128x80xi32, #tpu.memory_space<hbm>> -> memref<1x128x80xi32, #tpu.memory_space<hbm>>
      %dma_wait3A_17 = tpu.memref_squeeze %dma_wait3A_16 : memref<1x128x80xi32, #tpu.memory_space<hbm>> -> memref<128x80xi32, #tpu.memory_space<hbm>>
      %dma_wait3A_18 = arith.constant 0 : i32
      %dma_wait3A_19 = arith.constant 0 : i32
      %dma_wait3A_20 = tpu.memref_slice %arg3[%add3A, %dma_wait3A_18, %dma_wait3A_19] : memref<32x128x80xi32, #tpu.memory_space<hbm>> -> memref<1x128x80xi32, #tpu.memory_space<hbm>>
      %dma_wait3A_21 = tpu.memref_squeeze %dma_wait3A_20 : memref<1x128x80xi32, #tpu.memory_space<hbm>> -> memref<128x80xi32, #tpu.memory_space<hbm>>
      tpu.wait_dma2 semaphore(%run_scoped3A : memref<!tpu.dma_semaphore, #tpu.memory_space<semaphore_mem>>) src(%dma_wait3A_21 : memref<128x80xi32, #tpu.memory_space<hbm>>) dst(%arg7 : memref<128x80xi32, #tpu.memory_space<vmem>>)
      tpu.yield
    }) : () -> ()
    "tpu.region"() ({
      %run_scoped3A = tpu.sem_alloc : memref<!tpu.dma_semaphore, #tpu.memory_space<semaphore_mem>>
      %dma_start3A = arith.constant 0 : i32
      %dma_start3A_8 = arith.constant 0 : i32
      %dma_start3A_9 = tpu.memref_slice %arg4[%add3A, %dma_start3A, %dma_start3A_8] : memref<32x128x80xi32, #tpu.memory_space<hbm>> -> memref<1x128x80xi32, #tpu.memory_space<hbm>>
      %dma_start3A_10 = tpu.memref_squeeze %dma_start3A_9 : memref<1x128x80xi32, #tpu.memory_space<hbm>> -> memref<128x80xi32, #tpu.memory_space<hbm>>
      %dma_start3A_11 = arith.constant 0 : i32
      %dma_start3A_12 = arith.constant 0 : i32
      %dma_start3A_13 = tpu.memref_slice %arg4[%add3A, %dma_start3A_11, %dma_start3A_12] : memref<32x128x80xi32, #tpu.memory_space<hbm>> -> memref<1x128x80xi32, #tpu.memory_space<hbm>>
      %dma_start3A_14 = tpu.memref_squeeze %dma_start3A_13 : memref<1x128x80xi32, #tpu.memory_space<hbm>> -> memref<128x80xi32, #tpu.memory_space<hbm>>
      tpu.enqueue_dma source(%dma_start3A_14 : memref<128x80xi32, #tpu.memory_space<hbm>>) target(%arg8 : memref<128x80xi32, #tpu.memory_space<vmem>>) target_semaphore(%run_scoped3A : memref<!tpu.dma_semaphore, #tpu.memory_space<semaphore_mem>>)
      %dma_wait3A = arith.constant 0 : i32
      %dma_wait3A_15 = arith.constant 0 : i32
      %dma_wait3A_16 = tpu.memref_slice %arg4[%add3A, %dma_wait3A, %dma_wait3A_15] : memref<32x128x80xi32, #tpu.memory_space<hbm>> -> memref<1x128x80xi32, #tpu.memory_space<hbm>>
      %dma_wait3A_17 = tpu.memref_squeeze %dma_wait3A_16 : memref<1x128x80xi32, #tpu.memory_space<hbm>> -> memref<128x80xi32, #tpu.memory_space<hbm>>
      %dma_wait3A_18 = arith.constant 0 : i32
      %dma_wait3A_19 = arith.constant 0 : i32
      %dma_wait3A_20 = tpu.memref_slice %arg4[%add3A, %dma_wait3A_18, %dma_wait3A_19] : memref<32x128x80xi32, #tpu.memory_space<hbm>> -> memref<1x128x80xi32, #tpu.memory_space<hbm>>
      %dma_wait3A_21 = tpu.memref_squeeze %dma_wait3A_20 : memref<1x128x80xi32, #tpu.memory_space<hbm>> -> memref<128x80xi32, #tpu.memory_space<hbm>>
      tpu.wait_dma2 semaphore(%run_scoped3A : memref<!tpu.dma_semaphore, #tpu.memory_space<semaphore_mem>>) src(%dma_wait3A_21 : memref<128x80xi32, #tpu.memory_space<hbm>>) dst(%arg8 : memref<128x80xi32, #tpu.memory_space<vmem>>)
      tpu.yield
    }) : () -> ()
    "tpu.region"() ({
      %run_scoped3A = tpu.sem_alloc : memref<!tpu.dma_semaphore, #tpu.memory_space<semaphore_mem>>
      %dma_start3A = arith.constant 0 : i32
      %dma_start3A_8 = tpu.memref_slice %arg10[%mul3A_2, %dma_start3A] : memref<10240x128xf32, #tpu.memory_space<vmem_shared>> -> memref<640x128xf32, #tpu.memory_space<vmem_shared>>
      %dma_start3A_9 = arith.constant 0 : i32
      %dma_start3A_10 = tpu.memref_slice %arg5[%mul3A_2, %dma_start3A_9] : memref<10240x128xf32, #tpu.memory_space<hbm>> -> memref<640x128xf32, #tpu.memory_space<hbm>>
      tpu.enqueue_dma source(%dma_start3A_10 : memref<640x128xf32, #tpu.memory_space<hbm>>) target(%dma_start3A_8 : memref<640x128xf32, #tpu.memory_space<vmem_shared>>) target_semaphore(%run_scoped3A : memref<!tpu.dma_semaphore, #tpu.memory_space<semaphore_mem>>)
      %dma_wait3A = arith.constant 0 : i32
      %dma_wait3A_11 = tpu.memref_slice %arg10[%mul3A_2, %dma_wait3A] : memref<10240x128xf32, #tpu.memory_space<vmem_shared>> -> memref<640x128xf32, #tpu.memory_space<vmem_shared>>
      %dma_wait3A_12 = arith.constant 0 : i32
      %dma_wait3A_13 = tpu.memref_slice %arg5[%mul3A_2, %dma_wait3A_12] : memref<10240x128xf32, #tpu.memory_space<hbm>> -> memref<640x128xf32, #tpu.memory_space<hbm>>
      tpu.wait_dma2 semaphore(%run_scoped3A : memref<!tpu.dma_semaphore, #tpu.memory_space<semaphore_mem>>) src(%dma_wait3A_13 : memref<640x128xf32, #tpu.memory_space<hbm>>) dst(%dma_wait3A_11 : memref<640x128xf32, #tpu.memory_space<vmem_shared>>)
      tpu.yield
    }) : () -> ()
    %barrier3A = arith.constant 0 : index
    tpu.barrier barrier_id(%barrier3A)
    %scan3A = arith.constant 0 : i32
    %scan3A_3 = arith.constant 128 : i32
    %scan3A_4 = arith.addi %scan3A, %scan3A_3 : i32
    %scan3A_5 = arith.constant 1 : i32
    scf.for %scan3A_8 = %scan3A to %scan3A_4 step %scan3A_5  : i32 {
      %mul3A_9 = arith.constant 1 : i32
      %mul3A_10 = arith.muli %scan3A_8, %mul3A_9 : i32
      %add3A_11 = arith.constant 0 : i32
      %add3A_12 = arith.addi %add3A_11, %mul3A_10 : i32
      %dma_start3A = arith.constant 0 : i32
      %dma_start3A_13 = tpu.memref_slice %arg7[%add3A_12, %dma_start3A] : memref<128x80xi32, #tpu.memory_space<vmem>> -> memref<1x80xi32, #tpu.memory_space<vmem>>
      %dma_start3A_14 = tpu.memref_squeeze %dma_start3A_13 : memref<1x80xi32, #tpu.memory_space<vmem>> -> memref<80xi32, #tpu.memory_space<vmem>>
      %dma_start3A_15 = arith.constant 0 : i32
      %dma_start3A_16 = arith.constant 0 : i32
      %dma_start3A_17 = tpu.memref_slice %arg2[%dma_start3A_15, %dma_start3A_16] : memref<10000x128xf32, #tpu.memory_space<hbm>> -> memref<10000x128xf32, #tpu.memory_space<hbm>>
      tpu.enqueue_indirect_dma source(%dma_start3A_17 : memref<10000x128xf32, #tpu.memory_space<hbm>>) target(%arg9 : memref<80x128xf32, #tpu.memory_space<vmem>>) offsets(%dma_start3A_14 : memref<80xi32, #tpu.memory_space<vmem>>) semaphore(%arg11 : memref<!tpu.dma_semaphore, #tpu.memory_space<semaphore_mem>>)
      %dma_wait3A = arith.constant 0 : i32
      %dma_wait3A_18 = tpu.memref_slice %arg7[%add3A_12, %dma_wait3A] : memref<128x80xi32, #tpu.memory_space<vmem>> -> memref<1x80xi32, #tpu.memory_space<vmem>>
      %dma_wait3A_19 = tpu.memref_squeeze %dma_wait3A_18 : memref<1x80xi32, #tpu.memory_space<vmem>> -> memref<80xi32, #tpu.memory_space<vmem>>
      %dma_wait3A_20 = arith.constant 0 : i32
      %dma_wait3A_21 = arith.constant 0 : i32
      %dma_wait3A_22 = tpu.memref_slice %arg2[%dma_wait3A_20, %dma_wait3A_21] : memref<10000x128xf32, #tpu.memory_space<hbm>> -> memref<10000x128xf32, #tpu.memory_space<hbm>>
      tpu.wait_indirect_dma semaphore(%arg11 : memref<!tpu.dma_semaphore, #tpu.memory_space<semaphore_mem>>) src(%dma_wait3A_22 : memref<10000x128xf32, #tpu.memory_space<hbm>>) dst(%arg9 : memref<80x128xf32, #tpu.memory_space<vmem>>)
      "tpu.region"() ({
        %run_scoped3A = tpu.sem_alloc : memref<!tpu.dma_semaphore, #tpu.memory_space<semaphore_mem>>
        %dma_start3A_23 = arith.constant 0 : i32
        %dma_start3A_24 = tpu.memref_slice %arg8[%add3A_12, %dma_start3A_23] : memref<128x80xi32, #tpu.memory_space<vmem>> -> memref<1x80xi32, #tpu.memory_space<vmem>>
        %dma_start3A_25 = tpu.memref_squeeze %dma_start3A_24 : memref<1x80xi32, #tpu.memory_space<vmem>> -> memref<80xi32, #tpu.memory_space<vmem>>
        %dma_start3A_26 = arith.constant 0 : i32
        %dma_start3A_27 = arith.constant 0 : i32
        %dma_start3A_28 = tpu.memref_slice %arg10[%dma_start3A_26, %dma_start3A_27] : memref<10240x128xf32, #tpu.memory_space<vmem_shared>> -> memref<10240x128xf32, #tpu.memory_space<vmem_shared>>
        tpu.enqueue_indirect_dma source(%arg9 : memref<80x128xf32, #tpu.memory_space<vmem>>) target(%dma_start3A_28 : memref<10240x128xf32, #tpu.memory_space<vmem_shared>>) offsets(%dma_start3A_25 : memref<80xi32, #tpu.memory_space<vmem>>) semaphore(%run_scoped3A : memref<!tpu.dma_semaphore, #tpu.memory_space<semaphore_mem>>) {add = true}
        %dma_wait3A_29 = arith.constant 0 : i32
        %dma_wait3A_30 = tpu.memref_slice %arg8[%add3A_12, %dma_wait3A_29] : memref<128x80xi32, #tpu.memory_space<vmem>> -> memref<1x80xi32, #tpu.memory_space<vmem>>
        %dma_wait3A_31 = tpu.memref_squeeze %dma_wait3A_30 : memref<1x80xi32, #tpu.memory_space<vmem>> -> memref<80xi32, #tpu.memory_space<vmem>>
        %dma_wait3A_32 = arith.constant 0 : i32
        %dma_wait3A_33 = arith.constant 0 : i32
        %dma_wait3A_34 = tpu.memref_slice %arg10[%dma_wait3A_32, %dma_wait3A_33] : memref<10240x128xf32, #tpu.memory_space<vmem_shared>> -> memref<10240x128xf32, #tpu.memory_space<vmem_shared>>
        tpu.wait_indirect_dma semaphore(%run_scoped3A : memref<!tpu.dma_semaphore, #tpu.memory_space<semaphore_mem>>) src(%arg9 : memref<80x128xf32, #tpu.memory_space<vmem>>) dst(%dma_wait3A_34 : memref<10240x128xf32, #tpu.memory_space<vmem_shared>>)
        tpu.yield
      }) : () -> ()
    }
    %scan3A_6 = arith.constant 128 : i32
    %barrier3A_7 = arith.constant 0 : index
    tpu.barrier barrier_id(%barrier3A_7)
    "tpu.region"() ({
      %run_scoped3A = tpu.sem_alloc : memref<!tpu.dma_semaphore, #tpu.memory_space<semaphore_mem>>
      %dma_start3A = arith.constant 0 : i32
      %dma_start3A_8 = tpu.memref_slice %arg6[%arg0, %mul3A_2, %dma_start3A] : memref<2x10240x128xf32, #tpu.memory_space<hbm>> -> memref<1x640x128xf32, #tpu.memory_space<hbm>>
      %dma_start3A_9 = tpu.memref_squeeze %dma_start3A_8 : memref<1x640x128xf32, #tpu.memory_space<hbm>> -> memref<640x128xf32, #tpu.memory_space<hbm>>
      %dma_start3A_10 = arith.constant 0 : i32
      %dma_start3A_11 = tpu.memref_slice %arg10[%mul3A_2, %dma_start3A_10] : memref<10240x128xf32, #tpu.memory_space<vmem_shared>> -> memref<640x128xf32, #tpu.memory_space<vmem_shared>>
      tpu.enqueue_dma source(%dma_start3A_11 : memref<640x128xf32, #tpu.memory_space<vmem_shared>>) target(%dma_start3A_9 : memref<640x128xf32, #tpu.memory_space<hbm>>) target_semaphore(%run_scoped3A : memref<!tpu.dma_semaphore, #tpu.memory_space<semaphore_mem>>)
      %dma_wait3A = arith.constant 0 : i32
      %dma_wait3A_12 = tpu.memref_slice %arg6[%arg0, %mul3A_2, %dma_wait3A] : memref<2x10240x128xf32, #tpu.memory_space<hbm>> -> memref<1x640x128xf32, #tpu.memory_space<hbm>>
      %dma_wait3A_13 = tpu.memref_squeeze %dma_wait3A_12 : memref<1x640x128xf32, #tpu.memory_space<hbm>> -> memref<640x128xf32, #tpu.memory_space<hbm>>
      %dma_wait3A_14 = arith.constant 0 : i32
      %dma_wait3A_15 = tpu.memref_slice %arg10[%mul3A_2, %dma_wait3A_14] : memref<10240x128xf32, #tpu.memory_space<vmem_shared>> -> memref<640x128xf32, #tpu.memory_space<vmem_shared>>
      tpu.wait_dma2 semaphore(%run_scoped3A : memref<!tpu.dma_semaphore, #tpu.memory_space<semaphore_mem>>) src(%dma_wait3A_15 : memref<640x128xf32, #tpu.memory_space<vmem_shared>>) dst(%dma_wait3A_13 : memref<640x128xf32, #tpu.memory_space<hbm>>)
      tpu.yield
    }) : () -> ()
    return
  }
}

#map = affine_map<(d0, d1) -> (0, 0)>
#map1 = affine_map<(d0, d1) -> (0, 0, 0)>
module attributes {stable_mosaic.version = 14 : i64} {
  func.func @_sc_agg_body(%arg0: i32, %arg1: i32, %arg2: memref<10000x128xf32, #tpu.memory_space<hbm>>, %arg3: memref<32x128x80xi32, #tpu.memory_space<hbm>>, %arg4: memref<32x128x80xi32, #tpu.memory_space<hbm>>, %arg5: memref<10240x128xf32, #tpu.memory_space<hbm>>, %arg6: memref<2x10240x128xf32, #tpu.memory_space<hbm>>, %arg7: memref<128x80xi32, #tpu.memory_space<vmem>>, %arg8: memref<128x80xi32, #tpu.memory_space<vmem>>, %arg9: memref<80x128xf32, #tpu.memory_space<vmem>>, %arg10: memref<10240x128xf32, #tpu.memory_space<vmem_shared>>, %arg11: memref<!tpu.dma_semaphore, #tpu.memory_space<semaphore_mem>>) attributes {dimension_semantics = [#tpu.dimension_semantics<core_parallel>, #tpu.dimension_semantics<subcore_parallel>], iteration_bounds = array<i64: 2, 16>, scalar_prefetch = 0 : i64, scratch_operands = 5 : i64, tpu.core_type = #tpu.core_type<sc_vector_subcore>, window_params = [{transform_indices = #map}, {transform_indices = #map1}, {transform_indices = #map1}, {transform_indices = #map}, {transform_indices = #map1}]} {
    %mul3A = arith.constant 16 : i32
    %mul3A_0 = arith.muli %arg0, %mul3A : i32
    %add3A = arith.addi %mul3A_0, %arg1 : i32
    %mul3A_1 = arith.constant 640 : i32
    %mul3A_2 = arith.muli %arg1, %mul3A_1 : i32
    "tpu.region"() ({
      %run_scoped3A = tpu.sem_alloc : memref<!tpu.dma_semaphore, #tpu.memory_space<semaphore_mem>>
      %dma_start3A = arith.constant 0 : i32
      %dma_start3A_8 = arith.constant 0 : i32
      %dma_start3A_9 = tpu.memref_slice %arg3[%add3A, %dma_start3A, %dma_start3A_8] : memref<32x128x80xi32, #tpu.memory_space<hbm>> -> memref<1x128x80xi32, #tpu.memory_space<hbm>>
      %dma_start3A_10 = tpu.memref_squeeze %dma_start3A_9 : memref<1x128x80xi32, #tpu.memory_space<hbm>> -> memref<128x80xi32, #tpu.memory_space<hbm>>
      %dma_start3A_11 = arith.constant 0 : i32
      %dma_start3A_12 = arith.constant 0 : i32
      %dma_start3A_13 = tpu.memref_slice %arg3[%add3A, %dma_start3A_11, %dma_start3A_12] : memref<32x128x80xi32, #tpu.memory_space<hbm>> -> memref<1x128x80xi32, #tpu.memory_space<hbm>>
      %dma_start3A_14 = tpu.memref_squeeze %dma_start3A_13 : memref<1x128x80xi32, #tpu.memory_space<hbm>> -> memref<128x80xi32, #tpu.memory_space<hbm>>
      tpu.enqueue_dma source(%dma_start3A_14 : memref<128x80xi32, #tpu.memory_space<hbm>>) target(%arg7 : memref<128x80xi32, #tpu.memory_space<vmem>>) target_semaphore(%run_scoped3A : memref<!tpu.dma_semaphore, #tpu.memory_space<semaphore_mem>>)
      %dma_wait3A = arith.constant 0 : i32
      %dma_wait3A_15 = arith.constant 0 : i32
      %dma_wait3A_16 = tpu.memref_slice %arg3[%add3A, %dma_wait3A, %dma_wait3A_15] : memref<32x128x80xi32, #tpu.memory_space<hbm>> -> memref<1x128x80xi32, #tpu.memory_space<hbm>>
      %dma_wait3A_17 = tpu.memref_squeeze %dma_wait3A_16 : memref<1x128x80xi32, #tpu.memory_space<hbm>> -> memref<128x80xi32, #tpu.memory_space<hbm>>
      %dma_wait3A_18 = arith.constant 0 : i32
      %dma_wait3A_19 = arith.constant 0 : i32
      %dma_wait3A_20 = tpu.memref_slice %arg3[%add3A, %dma_wait3A_18, %dma_wait3A_19] : memref<32x128x80xi32, #tpu.memory_space<hbm>> -> memref<1x128x80xi32, #tpu.memory_space<hbm>>
      %dma_wait3A_21 = tpu.memref_squeeze %dma_wait3A_20 : memref<1x128x80xi32, #tpu.memory_space<hbm>> -> memref<128x80xi32, #tpu.memory_space<hbm>>
      tpu.wait_dma2 semaphore(%run_scoped3A : memref<!tpu.dma_semaphore, #tpu.memory_space<semaphore_mem>>) src(%dma_wait3A_21 : memref<128x80xi32, #tpu.memory_space<hbm>>) dst(%arg7 : memref<128x80xi32, #tpu.memory_space<vmem>>)
      tpu.yield
    }) : () -> ()
    "tpu.region"() ({
      %run_scoped3A = tpu.sem_alloc : memref<!tpu.dma_semaphore, #tpu.memory_space<semaphore_mem>>
      %dma_start3A = arith.constant 0 : i32
      %dma_start3A_8 = arith.constant 0 : i32
      %dma_start3A_9 = tpu.memref_slice %arg4[%add3A, %dma_start3A, %dma_start3A_8] : memref<32x128x80xi32, #tpu.memory_space<hbm>> -> memref<1x128x80xi32, #tpu.memory_space<hbm>>
      %dma_start3A_10 = tpu.memref_squeeze %dma_start3A_9 : memref<1x128x80xi32, #tpu.memory_space<hbm>> -> memref<128x80xi32, #tpu.memory_space<hbm>>
      %dma_start3A_11 = arith.constant 0 : i32
      %dma_start3A_12 = arith.constant 0 : i32
      %dma_start3A_13 = tpu.memref_slice %arg4[%add3A, %dma_start3A_11, %dma_start3A_12] : memref<32x128x80xi32, #tpu.memory_space<hbm>> -> memref<1x128x80xi32, #tpu.memory_space<hbm>>
      %dma_start3A_14 = tpu.memref_squeeze %dma_start3A_13 : memref<1x128x80xi32, #tpu.memory_space<hbm>> -> memref<128x80xi32, #tpu.memory_space<hbm>>
      tpu.enqueue_dma source(%dma_start3A_14 : memref<128x80xi32, #tpu.memory_space<hbm>>) target(%arg8 : memref<128x80xi32, #tpu.memory_space<vmem>>) target_semaphore(%run_scoped3A : memref<!tpu.dma_semaphore, #tpu.memory_space<semaphore_mem>>)
      %dma_wait3A = arith.constant 0 : i32
      %dma_wait3A_15 = arith.constant 0 : i32
      %dma_wait3A_16 = tpu.memref_slice %arg4[%add3A, %dma_wait3A, %dma_wait3A_15] : memref<32x128x80xi32, #tpu.memory_space<hbm>> -> memref<1x128x80xi32, #tpu.memory_space<hbm>>
      %dma_wait3A_17 = tpu.memref_squeeze %dma_wait3A_16 : memref<1x128x80xi32, #tpu.memory_space<hbm>> -> memref<128x80xi32, #tpu.memory_space<hbm>>
      %dma_wait3A_18 = arith.constant 0 : i32
      %dma_wait3A_19 = arith.constant 0 : i32
      %dma_wait3A_20 = tpu.memref_slice %arg4[%add3A, %dma_wait3A_18, %dma_wait3A_19] : memref<32x128x80xi32, #tpu.memory_space<hbm>> -> memref<1x128x80xi32, #tpu.memory_space<hbm>>
      %dma_wait3A_21 = tpu.memref_squeeze %dma_wait3A_20 : memref<1x128x80xi32, #tpu.memory_space<hbm>> -> memref<128x80xi32, #tpu.memory_space<hbm>>
      tpu.wait_dma2 semaphore(%run_scoped3A : memref<!tpu.dma_semaphore, #tpu.memory_space<semaphore_mem>>) src(%dma_wait3A_21 : memref<128x80xi32, #tpu.memory_space<hbm>>) dst(%arg8 : memref<128x80xi32, #tpu.memory_space<vmem>>)
      tpu.yield
    }) : () -> ()
    "tpu.region"() ({
      %run_scoped3A = tpu.sem_alloc : memref<!tpu.dma_semaphore, #tpu.memory_space<semaphore_mem>>
      %dma_start3A = arith.constant 0 : i32
      %dma_start3A_8 = tpu.memref_slice %arg10[%mul3A_2, %dma_start3A] : memref<10240x128xf32, #tpu.memory_space<vmem_shared>> -> memref<640x128xf32, #tpu.memory_space<vmem_shared>>
      %dma_start3A_9 = arith.constant 0 : i32
      %dma_start3A_10 = tpu.memref_slice %arg5[%mul3A_2, %dma_start3A_9] : memref<10240x128xf32, #tpu.memory_space<hbm>> -> memref<640x128xf32, #tpu.memory_space<hbm>>
      tpu.enqueue_dma source(%dma_start3A_10 : memref<640x128xf32, #tpu.memory_space<hbm>>) target(%dma_start3A_8 : memref<640x128xf32, #tpu.memory_space<vmem_shared>>) target_semaphore(%run_scoped3A : memref<!tpu.dma_semaphore, #tpu.memory_space<semaphore_mem>>)
      %dma_wait3A = arith.constant 0 : i32
      %dma_wait3A_11 = tpu.memref_slice %arg10[%mul3A_2, %dma_wait3A] : memref<10240x128xf32, #tpu.memory_space<vmem_shared>> -> memref<640x128xf32, #tpu.memory_space<vmem_shared>>
      %dma_wait3A_12 = arith.constant 0 : i32
      %dma_wait3A_13 = tpu.memref_slice %arg5[%mul3A_2, %dma_wait3A_12] : memref<10240x128xf32, #tpu.memory_space<hbm>> -> memref<640x128xf32, #tpu.memory_space<hbm>>
      tpu.wait_dma2 semaphore(%run_scoped3A : memref<!tpu.dma_semaphore, #tpu.memory_space<semaphore_mem>>) src(%dma_wait3A_13 : memref<640x128xf32, #tpu.memory_space<hbm>>) dst(%dma_wait3A_11 : memref<640x128xf32, #tpu.memory_space<vmem_shared>>)
      tpu.yield
    }) : () -> ()
    %barrier3A = arith.constant 0 : index
    tpu.barrier barrier_id(%barrier3A)
    %scan3A = arith.constant 0 : i32
    %scan3A_3 = arith.constant 128 : i32
    %scan3A_4 = arith.addi %scan3A, %scan3A_3 : i32
    %scan3A_5 = arith.constant 1 : i32
    scf.for %scan3A_8 = %scan3A to %scan3A_4 step %scan3A_5  : i32 {
      %mul3A_9 = arith.constant 1 : i32
      %mul3A_10 = arith.muli %scan3A_8, %mul3A_9 : i32
      %add3A_11 = arith.constant 0 : i32
      %add3A_12 = arith.addi %add3A_11, %mul3A_10 : i32
      %dma_start3A = arith.constant 0 : i32
      %dma_start3A_13 = tpu.memref_slice %arg7[%add3A_12, %dma_start3A] : memref<128x80xi32, #tpu.memory_space<vmem>> -> memref<1x80xi32, #tpu.memory_space<vmem>>
      %dma_start3A_14 = tpu.memref_squeeze %dma_start3A_13 : memref<1x80xi32, #tpu.memory_space<vmem>> -> memref<80xi32, #tpu.memory_space<vmem>>
      %dma_start3A_15 = arith.constant 0 : i32
      %dma_start3A_16 = arith.constant 0 : i32
      %dma_start3A_17 = tpu.memref_slice %arg2[%dma_start3A_15, %dma_start3A_16] : memref<10000x128xf32, #tpu.memory_space<hbm>> -> memref<10000x128xf32, #tpu.memory_space<hbm>>
      tpu.enqueue_indirect_dma source(%dma_start3A_17 : memref<10000x128xf32, #tpu.memory_space<hbm>>) target(%arg9 : memref<80x128xf32, #tpu.memory_space<vmem>>) offsets(%dma_start3A_14 : memref<80xi32, #tpu.memory_space<vmem>>) semaphore(%arg11 : memref<!tpu.dma_semaphore, #tpu.memory_space<semaphore_mem>>)
      %dma_wait3A = arith.constant 0 : i32
      %dma_wait3A_18 = tpu.memref_slice %arg7[%add3A_12, %dma_wait3A] : memref<128x80xi32, #tpu.memory_space<vmem>> -> memref<1x80xi32, #tpu.memory_space<vmem>>
      %dma_wait3A_19 = tpu.memref_squeeze %dma_wait3A_18 : memref<1x80xi32, #tpu.memory_space<vmem>> -> memref<80xi32, #tpu.memory_space<vmem>>
      %dma_wait3A_20 = arith.constant 0 : i32
      %dma_wait3A_21 = arith.constant 0 : i32
      %dma_wait3A_22 = tpu.memref_slice %arg2[%dma_wait3A_20, %dma_wait3A_21] : memref<10000x128xf32, #tpu.memory_space<hbm>> -> memref<10000x128xf32, #tpu.memory_space<hbm>>
      tpu.wait_indirect_dma semaphore(%arg11 : memref<!tpu.dma_semaphore, #tpu.memory_space<semaphore_mem>>) src(%dma_wait3A_22 : memref<10000x128xf32, #tpu.memory_space<hbm>>) dst(%arg9 : memref<80x128xf32, #tpu.memory_space<vmem>>)
      "tpu.region"() ({
        %run_scoped3A = tpu.sem_alloc : memref<!tpu.dma_semaphore, #tpu.memory_space<semaphore_mem>>
        %dma_start3A_23 = arith.constant 0 : i32
        %dma_start3A_24 = tpu.memref_slice %arg8[%add3A_12, %dma_start3A_23] : memref<128x80xi32, #tpu.memory_space<vmem>> -> memref<1x80xi32, #tpu.memory_space<vmem>>
        %dma_start3A_25 = tpu.memref_squeeze %dma_start3A_24 : memref<1x80xi32, #tpu.memory_space<vmem>> -> memref<80xi32, #tpu.memory_space<vmem>>
        %dma_start3A_26 = arith.constant 0 : i32
        %dma_start3A_27 = arith.constant 0 : i32
        %dma_start3A_28 = tpu.memref_slice %arg10[%dma_start3A_26, %dma_start3A_27] : memref<10240x128xf32, #tpu.memory_space<vmem_shared>> -> memref<10240x128xf32, #tpu.memory_space<vmem_shared>>
        tpu.enqueue_indirect_dma source(%arg9 : memref<80x128xf32, #tpu.memory_space<vmem>>) target(%dma_start3A_28 : memref<10240x128xf32, #tpu.memory_space<vmem_shared>>) offsets(%dma_start3A_25 : memref<80xi32, #tpu.memory_space<vmem>>) semaphore(%run_scoped3A : memref<!tpu.dma_semaphore, #tpu.memory_space<semaphore_mem>>) {add = true}
        %dma_wait3A_29 = arith.constant 0 : i32
        %dma_wait3A_30 = tpu.memref_slice %arg8[%add3A_12, %dma_wait3A_29] : memref<128x80xi32, #tpu.memory_space<vmem>> -> memref<1x80xi32, #tpu.memory_space<vmem>>
        %dma_wait3A_31 = tpu.memref_squeeze %dma_wait3A_30 : memref<1x80xi32, #tpu.memory_space<vmem>> -> memref<80xi32, #tpu.memory_space<vmem>>
        %dma_wait3A_32 = arith.constant 0 : i32
        %dma_wait3A_33 = arith.constant 0 : i32
        %dma_wait3A_34 = tpu.memref_slice %arg10[%dma_wait3A_32, %dma_wait3A_33] : memref<10240x128xf32, #tpu.memory_space<vmem_shared>> -> memref<10240x128xf32, #tpu.memory_space<vmem_shared>>
        tpu.wait_indirect_dma semaphore(%run_scoped3A : memref<!tpu.dma_semaphore, #tpu.memory_space<semaphore_mem>>) src(%arg9 : memref<80x128xf32, #tpu.memory_space<vmem>>) dst(%dma_wait3A_34 : memref<10240x128xf32, #tpu.memory_space<vmem_shared>>)
        tpu.yield
      }) : () -> ()
    }
    %scan3A_6 = arith.constant 128 : i32
    %barrier3A_7 = arith.constant 0 : index
    tpu.barrier barrier_id(%barrier3A_7)
    "tpu.region"() ({
      %run_scoped3A = tpu.sem_alloc : memref<!tpu.dma_semaphore, #tpu.memory_space<semaphore_mem>>
      %dma_start3A = arith.constant 0 : i32
      %dma_start3A_8 = tpu.memref_slice %arg6[%arg0, %mul3A_2, %dma_start3A] : memref<2x10240x128xf32, #tpu.memory_space<hbm>> -> memref<1x640x128xf32, #tpu.memory_space<hbm>>
      %dma_start3A_9 = tpu.memref_squeeze %dma_start3A_8 : memref<1x640x128xf32, #tpu.memory_space<hbm>> -> memref<640x128xf32, #tpu.memory_space<hbm>>
      %dma_start3A_10 = arith.constant 0 : i32
      %dma_start3A_11 = tpu.memref_slice %arg10[%mul3A_2, %dma_start3A_10] : memref<10240x128xf32, #tpu.memory_space<vmem_shared>> -> memref<640x128xf32, #tpu.memory_space<vmem_shared>>
      tpu.enqueue_dma source(%dma_start3A_11 : memref<640x128xf32, #tpu.memory_space<vmem_shared>>) target(%dma_start3A_9 : memref<640x128xf32, #tpu.memory_space<hbm>>) target_semaphore(%run_scoped3A : memref<!tpu.dma_semaphore, #tpu.memory_space<semaphore_mem>>)
      %dma_wait3A = arith.constant 0 : i32
      %dma_wait3A_12 = tpu.memref_slice %arg6[%arg0, %mul3A_2, %dma_wait3A] : memref<2x10240x128xf32, #tpu.memory_space<hbm>> -> memref<1x640x128xf32, #tpu.memory_space<hbm>>
      %dma_wait3A_13 = tpu.memref_squeeze %dma_wait3A_12 : memref<1x640x128xf32, #tpu.memory_space<hbm>> -> memref<640x128xf32, #tpu.memory_space<hbm>>
      %dma_wait3A_14 = arith.constant 0 : i32
      %dma_wait3A_15 = tpu.memref_slice %arg10[%mul3A_2, %dma_wait3A_14] : memref<10240x128xf32, #tpu.memory_space<vmem_shared>> -> memref<640x128xf32, #tpu.memory_space<vmem_shared>>
      tpu.wait_dma2 semaphore(%run_scoped3A : memref<!tpu.dma_semaphore, #tpu.memory_space<semaphore_mem>>) src(%dma_wait3A_15 : memref<640x128xf32, #tpu.memory_space<vmem_shared>>) dst(%dma_wait3A_13 : memref<640x128xf32, #tpu.memory_space<hbm>>)
      tpu.yield
    }) : () -> ()
    return
  }
}

module attributes {stable_mosaic.version = 14 : i64} {
  func.func @_tc1_body(%arg0: i32, %arg1: memref<1000x128xf32, #tpu.memory_space<vmem>>, %arg2: memref<1000x128xf32, #tpu.memory_space<vmem>>, %arg3: memref<1000x128xf32, #tpu.memory_space<vmem>>, %arg4: memref<1000x1xf32, #tpu.memory_space<vmem>>, %arg5: memref<1000x1xf32, #tpu.memory_space<vmem>>, %arg6: memref<128x128xf32, #tpu.memory_space<vmem>>, %arg7: memref<128x128xf32, #tpu.memory_space<vmem>>, %arg8: memref<1x128xf32, #tpu.memory_space<vmem>>, %arg9: memref<1000x128xf32, #tpu.memory_space<vmem>>, %arg10: memref<1000x1xf32, #tpu.memory_space<vmem>>) attributes {dimension_semantics = [#tpu.dimension_semantics<arbitrary>], iteration_bounds = array<i64: 10>, scalar_prefetch = 0 : i64, scratch_operands = 0 : i64, tpu.core_type = #tpu.core_type<tc>, window_params = [{transform_indices = @transform_0, window_bounds = array<i64: 1000, 128>}, {transform_indices = @transform_1, window_bounds = array<i64: 1000, 128>}, {transform_indices = @transform_2, window_bounds = array<i64: 1000, 128>}, {transform_indices = @transform_3, window_bounds = array<i64: 1000, 1>}, {transform_indices = @transform_4, window_bounds = array<i64: 1000, 1>}, {pipeline_mode = #tpu.pipeline_mode<synchronous>, transform_indices = @transform_5, window_bounds = array<i64: 128, 128>}, {pipeline_mode = #tpu.pipeline_mode<synchronous>, transform_indices = @transform_6, window_bounds = array<i64: 128, 128>}, {pipeline_mode = #tpu.pipeline_mode<synchronous>, transform_indices = @transform_7, window_bounds = array<i64: 1, 128>}, {transform_indices = @transform_8, window_bounds = array<i64: 1000, 128>}, {transform_indices = @transform_9, window_bounds = array<i64: 1000, 1>}]} {
    %get3A = arith.constant 0 : index
    %get3A_0 = arith.constant 0 : index
    %get3A_1 = vector.load %arg4[%get3A, %get3A_0] : memref<1000x1xf32, #tpu.memory_space<vmem>>, vector<1000x1xf32>
    %get3A_2 = arith.constant 0 : index
    %get3A_3 = arith.constant 0 : index
    %get3A_4 = vector.load %arg5[%get3A_2, %get3A_3] : memref<1000x1xf32, #tpu.memory_space<vmem>>, vector<1000x1xf32>
    %add3A = arith.addf %get3A_1, %get3A_4 : vector<1000x1xf32>
    %max3A = arith.constant 9.99999971E-10 : f32
    %max3A_5 = vector.broadcast %max3A : f32 to vector<1000x1xf32>
    %max3A_6 = arith.maximumf %add3A, %max3A_5 : vector<1000x1xf32>
    %div3A = arith.constant 1.000000e+00 : f32
    %div3A_7 = vector.broadcast %div3A : f32 to vector<1000x1xf32>
    %div3A_8 = arith.divf %div3A_7, %max3A_6 : vector<1000x1xf32>
    %swap3A = arith.constant 0 : index
    %swap3A_9 = arith.constant 0 : index
    %swap3A_10 = vector.load %arg10[%swap3A, %swap3A_9] : memref<1000x1xf32, #tpu.memory_space<vmem>>, vector<1000x1xf32>
    tpu.vector_store %arg10[%swap3A, %swap3A_9], %div3A_8 {strides = array<i32>} : memref<1000x1xf32, #tpu.memory_space<vmem>>, vector<1000x1xf32>,
    %get3A_11 = arith.constant 0 : index
    %get3A_12 = arith.constant 0 : index
    %get3A_13 = vector.load %arg2[%get3A_11, %get3A_12] : memref<1000x128xf32, #tpu.memory_space<vmem>>, vector<1000x128xf32>
    %get3A_14 = arith.constant 0 : index
    %get3A_15 = arith.constant 0 : index
    %get3A_16 = vector.load %arg3[%get3A_14, %get3A_15] : memref<1000x128xf32, #tpu.memory_space<vmem>>, vector<1000x128xf32>
    %add3A_17 = arith.addf %get3A_13, %get3A_16 : vector<1000x128xf32>
    %mul3A = vector.broadcast %div3A_8 : vector<1000x1xf32> to vector<1000x128xf32>
    %mul3A_18 = arith.mulf %add3A_17, %mul3A : vector<1000x128xf32>
    %get3A_19 = arith.constant 0 : index
    %get3A_20 = arith.constant 0 : index
    %get3A_21 = vector.load %arg1[%get3A_19, %get3A_20] : memref<1000x128xf32, #tpu.memory_space<vmem>>, vector<1000x128xf32>
    %get3A_22 = arith.constant 0 : index
    %get3A_23 = arith.constant 0 : index
    %get3A_24 = vector.load %arg6[%get3A_22, %get3A_23] : memref<128x128xf32, #tpu.memory_space<vmem>>, vector<128x128xf32>
    %dot_general3A = arith.constant dense<0.000000e+00> : vector<1000x128xf32>
    %dot_general3A_25 = tpu.matmul %get3A_21, %get3A_24, %dot_general3A {dimension_numbers = #tpu.dot_dimension_numbers<[1], [0], [0], [1], [0, 0, 1, 1], [], []>, transpose_lhs_hint = false} : vector<1000x128xf32>, vector<128x128xf32>, vector<1000x128xf32> -> vector<1000x128xf32>
    %get3A_26 = arith.constant 0 : index
    %get3A_27 = arith.constant 0 : index
    %get3A_28 = vector.load %arg7[%get3A_26, %get3A_27] : memref<128x128xf32, #tpu.memory_space<vmem>>, vector<128x128xf32>
    %dot_general3A_29 = arith.constant dense<0.000000e+00> : vector<1000x128xf32>
    %dot_general3A_30 = tpu.matmul %mul3A_18, %get3A_28, %dot_general3A_29 {dimension_numbers = #tpu.dot_dimension_numbers<[1], [0], [0], [1], [0, 0, 1, 1], [], []>, transpose_lhs_hint = false} : vector<1000x128xf32>, vector<128x128xf32>, vector<1000x128xf32> -> vector<1000x128xf32>
    %add3A_31 = arith.addf %dot_general3A_25, %dot_general3A_30 : vector<1000x128xf32>
    %get3A_32 = arith.constant 0 : index
    %get3A_33 = arith.constant 0 : index
    %get3A_34 = vector.load %arg8[%get3A_32, %get3A_33] : memref<1x128xf32, #tpu.memory_space<vmem>>, vector<1x128xf32>
    %add3A_35 = vector.broadcast %get3A_34 : vector<1x128xf32> to vector<1000x128xf32>
    %add3A_36 = arith.addf %add3A_31, %add3A_35 : vector<1000x128xf32>
    %max3A_37 = arith.constant 0.000000e+00 : f32
    %max3A_38 = vector.broadcast %max3A_37 : f32 to vector<1000x128xf32>
    %max3A_39 = arith.maximumf %add3A_36, %max3A_38 : vector<1000x128xf32>
    %swap3A_40 = arith.constant 0 : index
    %swap3A_41 = arith.constant 0 : index
    %swap3A_42 = vector.load %arg9[%swap3A_40, %swap3A_41] : memref<1000x128xf32, #tpu.memory_space<vmem>>, vector<1000x128xf32>
    tpu.vector_store %arg9[%swap3A_40, %swap3A_41], %max3A_39 {strides = array<i32>} : memref<1000x128xf32, #tpu.memory_space<vmem>>, vector<1000x128xf32>,
    return
  }
  func.func @transform_0(%arg0: i32) -> (i32, i32) {
    %c0_i32 = arith.constant 0 : i32
    %c0_i32_0 = arith.constant 0 : i32
    return %arg0, %c0_i32 : i32, i32
  }
  func.func @transform_1(%arg0: i32) -> (i32, i32) {
    %c0_i32 = arith.constant 0 : i32
    %c0_i32_0 = arith.constant 0 : i32
    return %arg0, %c0_i32 : i32, i32
  }
  func.func @transform_2(%arg0: i32) -> (i32, i32) {
    %c0_i32 = arith.constant 0 : i32
    %c0_i32_0 = arith.constant 0 : i32
    return %arg0, %c0_i32 : i32, i32
  }
  func.func @transform_3(%arg0: i32) -> (i32, i32) {
    %c0_i32 = arith.constant 0 : i32
    %c0_i32_0 = arith.constant 0 : i32
    return %arg0, %c0_i32 : i32, i32
  }
  func.func @transform_4(%arg0: i32) -> (i32, i32) {
    %c0_i32 = arith.constant 0 : i32
    %c0_i32_0 = arith.constant 0 : i32
    return %arg0, %c0_i32 : i32, i32
  }
  func.func @transform_5(%arg0: i32) -> (i32, i32) {
    %c0_i32 = arith.constant 0 : i32
    %c0_i32_0 = arith.constant 0 : i32
    %c0_i32_1 = arith.constant 0 : i32
    return %c0_i32, %c0_i32_0 : i32, i32
  }
  func.func @transform_6(%arg0: i32) -> (i32, i32) {
    %c0_i32 = arith.constant 0 : i32
    %c0_i32_0 = arith.constant 0 : i32
    %c0_i32_1 = arith.constant 0 : i32
    return %c0_i32, %c0_i32_0 : i32, i32
  }
  func.func @transform_7(%arg0: i32) -> (i32, i32) {
    %c0_i32 = arith.constant 0 : i32
    %c0_i32_0 = arith.constant 0 : i32
    %c0_i32_1 = arith.constant 0 : i32
    return %c0_i32, %c0_i32_0 : i32, i32
  }
  func.func @transform_8(%arg0: i32) -> (i32, i32) {
    %c0_i32 = arith.constant 0 : i32
    %c0_i32_0 = arith.constant 0 : i32
    return %arg0, %c0_i32 : i32, i32
  }
  func.func @transform_9(%arg0: i32) -> (i32, i32) {
    %c0_i32 = arith.constant 0 : i32
    %c0_i32_0 = arith.constant 0 : i32
    return %arg0, %c0_i32 : i32, i32
  }
}

module attributes {stable_mosaic.version = 14 : i64} {
  func.func @_tc_body(%arg0: i32, %arg1: memref<1000x128xf32, #tpu.memory_space<vmem>>, %arg2: memref<1000x128xf32, #tpu.memory_space<vmem>>, %arg3: memref<1000x128xf32, #tpu.memory_space<vmem>>, %arg4: memref<1000x1xf32, #tpu.memory_space<vmem>>, %arg5: memref<128x128xf32, #tpu.memory_space<vmem>>, %arg6: memref<128x128xf32, #tpu.memory_space<vmem>>, %arg7: memref<1x128xf32, #tpu.memory_space<vmem>>, %arg8: memref<1000x128xf32, #tpu.memory_space<vmem>>) attributes {dimension_semantics = [#tpu.dimension_semantics<arbitrary>], iteration_bounds = array<i64: 10>, scalar_prefetch = 0 : i64, scratch_operands = 0 : i64, tpu.core_type = #tpu.core_type<tc>, window_params = [{transform_indices = @transform_0, window_bounds = array<i64: 1000, 128>}, {transform_indices = @transform_1, window_bounds = array<i64: 1000, 128>}, {transform_indices = @transform_2, window_bounds = array<i64: 1000, 128>}, {transform_indices = @transform_3, window_bounds = array<i64: 1000, 1>}, {pipeline_mode = #tpu.pipeline_mode<synchronous>, transform_indices = @transform_4, window_bounds = array<i64: 128, 128>}, {pipeline_mode = #tpu.pipeline_mode<synchronous>, transform_indices = @transform_5, window_bounds = array<i64: 128, 128>}, {pipeline_mode = #tpu.pipeline_mode<synchronous>, transform_indices = @transform_6, window_bounds = array<i64: 1, 128>}, {transform_indices = @transform_7, window_bounds = array<i64: 1000, 128>}]} {
    %get3A = arith.constant 0 : index
    %get3A_0 = arith.constant 0 : index
    %get3A_1 = vector.load %arg2[%get3A, %get3A_0] : memref<1000x128xf32, #tpu.memory_space<vmem>>, vector<1000x128xf32>
    %get3A_2 = arith.constant 0 : index
    %get3A_3 = arith.constant 0 : index
    %get3A_4 = vector.load %arg3[%get3A_2, %get3A_3] : memref<1000x128xf32, #tpu.memory_space<vmem>>, vector<1000x128xf32>
    %add3A = arith.addf %get3A_1, %get3A_4 : vector<1000x128xf32>
    %get3A_5 = arith.constant 0 : index
    %get3A_6 = arith.constant 0 : index
    %get3A_7 = vector.load %arg4[%get3A_5, %get3A_6] : memref<1000x1xf32, #tpu.memory_space<vmem>>, vector<1000x1xf32>
    %mul3A = vector.broadcast %get3A_7 : vector<1000x1xf32> to vector<1000x128xf32>
    %mul3A_8 = arith.mulf %add3A, %mul3A : vector<1000x128xf32>
    %get3A_9 = arith.constant 0 : index
    %get3A_10 = arith.constant 0 : index
    %get3A_11 = vector.load %arg1[%get3A_9, %get3A_10] : memref<1000x128xf32, #tpu.memory_space<vmem>>, vector<1000x128xf32>
    %get3A_12 = arith.constant 0 : index
    %get3A_13 = arith.constant 0 : index
    %get3A_14 = vector.load %arg5[%get3A_12, %get3A_13] : memref<128x128xf32, #tpu.memory_space<vmem>>, vector<128x128xf32>
    %dot_general3A = arith.constant dense<0.000000e+00> : vector<1000x128xf32>
    %dot_general3A_15 = tpu.matmul %get3A_11, %get3A_14, %dot_general3A {dimension_numbers = #tpu.dot_dimension_numbers<[1], [0], [0], [1], [0, 0, 1, 1], [], []>, transpose_lhs_hint = false} : vector<1000x128xf32>, vector<128x128xf32>, vector<1000x128xf32> -> vector<1000x128xf32>
    %get3A_16 = arith.constant 0 : index
    %get3A_17 = arith.constant 0 : index
    %get3A_18 = vector.load %arg6[%get3A_16, %get3A_17] : memref<128x128xf32, #tpu.memory_space<vmem>>, vector<128x128xf32>
    %dot_general3A_19 = arith.constant dense<0.000000e+00> : vector<1000x128xf32>
    %dot_general3A_20 = tpu.matmul %mul3A_8, %get3A_18, %dot_general3A_19 {dimension_numbers = #tpu.dot_dimension_numbers<[1], [0], [0], [1], [0, 0, 1, 1], [], []>, transpose_lhs_hint = false} : vector<1000x128xf32>, vector<128x128xf32>, vector<1000x128xf32> -> vector<1000x128xf32>
    %add3A_21 = arith.addf %dot_general3A_15, %dot_general3A_20 : vector<1000x128xf32>
    %get3A_22 = arith.constant 0 : index
    %get3A_23 = arith.constant 0 : index
    %get3A_24 = vector.load %arg7[%get3A_22, %get3A_23] : memref<1x128xf32, #tpu.memory_space<vmem>>, vector<1x128xf32>
    %add3A_25 = vector.broadcast %get3A_24 : vector<1x128xf32> to vector<1000x128xf32>
    %add3A_26 = arith.addf %add3A_21, %add3A_25 : vector<1000x128xf32>
    %max3A = arith.constant 0.000000e+00 : f32
    %max3A_27 = vector.broadcast %max3A : f32 to vector<1000x128xf32>
    %max3A_28 = arith.maximumf %add3A_26, %max3A_27 : vector<1000x128xf32>
    %swap3A = arith.constant 0 : index
    %swap3A_29 = arith.constant 0 : index
    %swap3A_30 = vector.load %arg8[%swap3A, %swap3A_29] : memref<1000x128xf32, #tpu.memory_space<vmem>>, vector<1000x128xf32>
    tpu.vector_store %arg8[%swap3A, %swap3A_29], %max3A_28 {strides = array<i32>} : memref<1000x128xf32, #tpu.memory_space<vmem>>, vector<1000x128xf32>,
    return
  }
  func.func @transform_0(%arg0: i32) -> (i32, i32) {
    %c0_i32 = arith.constant 0 : i32
    %c0_i32_0 = arith.constant 0 : i32
    return %arg0, %c0_i32 : i32, i32
  }
  func.func @transform_1(%arg0: i32) -> (i32, i32) {
    %c0_i32 = arith.constant 0 : i32
    %c0_i32_0 = arith.constant 0 : i32
    return %arg0, %c0_i32 : i32, i32
  }
  func.func @transform_2(%arg0: i32) -> (i32, i32) {
    %c0_i32 = arith.constant 0 : i32
    %c0_i32_0 = arith.constant 0 : i32
    return %arg0, %c0_i32 : i32, i32
  }
  func.func @transform_3(%arg0: i32) -> (i32, i32) {
    %c0_i32 = arith.constant 0 : i32
    %c0_i32_0 = arith.constant 0 : i32
    return %arg0, %c0_i32 : i32, i32
  }
  func.func @transform_4(%arg0: i32) -> (i32, i32) {
    %c0_i32 = arith.constant 0 : i32
    %c0_i32_0 = arith.constant 0 : i32
    %c0_i32_1 = arith.constant 0 : i32
    return %c0_i32, %c0_i32_0 : i32, i32
  }
  func.func @transform_5(%arg0: i32) -> (i32, i32) {
    %c0_i32 = arith.constant 0 : i32
    %c0_i32_0 = arith.constant 0 : i32
    %c0_i32_1 = arith.constant 0 : i32
    return %c0_i32, %c0_i32_0 : i32, i32
  }
  func.func @transform_6(%arg0: i32) -> (i32, i32) {
    %c0_i32 = arith.constant 0 : i32
    %c0_i32_0 = arith.constant 0 : i32
    %c0_i32_1 = arith.constant 0 : i32
    return %c0_i32, %c0_i32_0 : i32, i32
  }
  func.func @transform_7(%arg0: i32) -> (i32, i32) {
    %c0_i32 = arith.constant 0 : i32
    %c0_i32_0 = arith.constant 0 : i32
    return %arg0, %c0_i32 : i32, i32
  }
}

module attributes {stable_mosaic.version = 14 : i64} {
  func.func @_tc_body(%arg0: i32, %arg1: memref<1000x128xf32, #tpu.memory_space<vmem>>, %arg2: memref<1000x128xf32, #tpu.memory_space<vmem>>, %arg3: memref<1000x128xf32, #tpu.memory_space<vmem>>, %arg4: memref<1000x1xf32, #tpu.memory_space<vmem>>, %arg5: memref<128x128xf32, #tpu.memory_space<vmem>>, %arg6: memref<128x128xf32, #tpu.memory_space<vmem>>, %arg7: memref<1x128xf32, #tpu.memory_space<vmem>>, %arg8: memref<1000x128xf32, #tpu.memory_space<vmem>>) attributes {dimension_semantics = [#tpu.dimension_semantics<arbitrary>], iteration_bounds = array<i64: 10>, scalar_prefetch = 0 : i64, scratch_operands = 0 : i64, tpu.core_type = #tpu.core_type<tc>, window_params = [{transform_indices = @transform_0, window_bounds = array<i64: 1000, 128>}, {transform_indices = @transform_1, window_bounds = array<i64: 1000, 128>}, {transform_indices = @transform_2, window_bounds = array<i64: 1000, 128>}, {transform_indices = @transform_3, window_bounds = array<i64: 1000, 1>}, {pipeline_mode = #tpu.pipeline_mode<synchronous>, transform_indices = @transform_4, window_bounds = array<i64: 128, 128>}, {pipeline_mode = #tpu.pipeline_mode<synchronous>, transform_indices = @transform_5, window_bounds = array<i64: 128, 128>}, {pipeline_mode = #tpu.pipeline_mode<synchronous>, transform_indices = @transform_6, window_bounds = array<i64: 1, 128>}, {transform_indices = @transform_7, window_bounds = array<i64: 1000, 128>}]} {
    %get3A = arith.constant 0 : index
    %get3A_0 = arith.constant 0 : index
    %get3A_1 = vector.load %arg2[%get3A, %get3A_0] : memref<1000x128xf32, #tpu.memory_space<vmem>>, vector<1000x128xf32>
    %get3A_2 = arith.constant 0 : index
    %get3A_3 = arith.constant 0 : index
    %get3A_4 = vector.load %arg3[%get3A_2, %get3A_3] : memref<1000x128xf32, #tpu.memory_space<vmem>>, vector<1000x128xf32>
    %add3A = arith.addf %get3A_1, %get3A_4 : vector<1000x128xf32>
    %get3A_5 = arith.constant 0 : index
    %get3A_6 = arith.constant 0 : index
    %get3A_7 = vector.load %arg4[%get3A_5, %get3A_6] : memref<1000x1xf32, #tpu.memory_space<vmem>>, vector<1000x1xf32>
    %mul3A = vector.broadcast %get3A_7 : vector<1000x1xf32> to vector<1000x128xf32>
    %mul3A_8 = arith.mulf %add3A, %mul3A : vector<1000x128xf32>
    %get3A_9 = arith.constant 0 : index
    %get3A_10 = arith.constant 0 : index
    %get3A_11 = vector.load %arg1[%get3A_9, %get3A_10] : memref<1000x128xf32, #tpu.memory_space<vmem>>, vector<1000x128xf32>
    %get3A_12 = arith.constant 0 : index
    %get3A_13 = arith.constant 0 : index
    %get3A_14 = vector.load %arg5[%get3A_12, %get3A_13] : memref<128x128xf32, #tpu.memory_space<vmem>>, vector<128x128xf32>
    %dot_general3A = arith.constant dense<0.000000e+00> : vector<1000x128xf32>
    %dot_general3A_15 = tpu.matmul %get3A_11, %get3A_14, %dot_general3A {dimension_numbers = #tpu.dot_dimension_numbers<[1], [0], [0], [1], [0, 0, 1, 1], [], []>, transpose_lhs_hint = false} : vector<1000x128xf32>, vector<128x128xf32>, vector<1000x128xf32> -> vector<1000x128xf32>
    %get3A_16 = arith.constant 0 : index
    %get3A_17 = arith.constant 0 : index
    %get3A_18 = vector.load %arg6[%get3A_16, %get3A_17] : memref<128x128xf32, #tpu.memory_space<vmem>>, vector<128x128xf32>
    %dot_general3A_19 = arith.constant dense<0.000000e+00> : vector<1000x128xf32>
    %dot_general3A_20 = tpu.matmul %mul3A_8, %get3A_18, %dot_general3A_19 {dimension_numbers = #tpu.dot_dimension_numbers<[1], [0], [0], [1], [0, 0, 1, 1], [], []>, transpose_lhs_hint = false} : vector<1000x128xf32>, vector<128x128xf32>, vector<1000x128xf32> -> vector<1000x128xf32>
    %add3A_21 = arith.addf %dot_general3A_15, %dot_general3A_20 : vector<1000x128xf32>
    %get3A_22 = arith.constant 0 : index
    %get3A_23 = arith.constant 0 : index
    %get3A_24 = vector.load %arg7[%get3A_22, %get3A_23] : memref<1x128xf32, #tpu.memory_space<vmem>>, vector<1x128xf32>
    %add3A_25 = vector.broadcast %get3A_24 : vector<1x128xf32> to vector<1000x128xf32>
    %add3A_26 = arith.addf %add3A_21, %add3A_25 : vector<1000x128xf32>
    %swap3A = arith.constant 0 : index
    %swap3A_27 = arith.constant 0 : index
    %swap3A_28 = vector.load %arg8[%swap3A, %swap3A_27] : memref<1000x128xf32, #tpu.memory_space<vmem>>, vector<1000x128xf32>
    tpu.vector_store %arg8[%swap3A, %swap3A_27], %add3A_26 {strides = array<i32>} : memref<1000x128xf32, #tpu.memory_space<vmem>>, vector<1000x128xf32>,
    return
  }
  func.func @transform_0(%arg0: i32) -> (i32, i32) {
    %c0_i32 = arith.constant 0 : i32
    %c0_i32_0 = arith.constant 0 : i32
    return %arg0, %c0_i32 : i32, i32
  }
  func.func @transform_1(%arg0: i32) -> (i32, i32) {
    %c0_i32 = arith.constant 0 : i32
    %c0_i32_0 = arith.constant 0 : i32
    return %arg0, %c0_i32 : i32, i32
  }
  func.func @transform_2(%arg0: i32) -> (i32, i32) {
    %c0_i32 = arith.constant 0 : i32
    %c0_i32_0 = arith.constant 0 : i32
    return %arg0, %c0_i32 : i32, i32
  }
  func.func @transform_3(%arg0: i32) -> (i32, i32) {
    %c0_i32 = arith.constant 0 : i32
    %c0_i32_0 = arith.constant 0 : i32
    return %arg0, %c0_i32 : i32, i32
  }
  func.func @transform_4(%arg0: i32) -> (i32, i32) {
    %c0_i32 = arith.constant 0 : i32
    %c0_i32_0 = arith.constant 0 : i32
    %c0_i32_1 = arith.constant 0 : i32
    return %c0_i32, %c0_i32_0 : i32, i32
  }
  func.func @transform_5(%arg0: i32) -> (i32, i32) {
    %c0_i32 = arith.constant 0 : i32
    %c0_i32_0 = arith.constant 0 : i32
    %c0_i32_1 = arith.constant 0 : i32
    return %c0_i32, %c0_i32_0 : i32, i32
  }
  func.func @transform_6(%arg0: i32) -> (i32, i32) {
    %c0_i32 = arith.constant 0 : i32
    %c0_i32_0 = arith.constant 0 : i32
    %c0_i32_1 = arith.constant 0 : i32
    return %c0_i32, %c0_i32_0 : i32, i32
  }
  func.func @transform_7(%arg0: i32) -> (i32, i32) {
    %c0_i32 = arith.constant 0 : i32
    %c0_i32_0 = arith.constant 0 : i32
    return %arg0, %c0_i32 : i32, i32
  }
}

</mosaic_0001>

<sc_bundles>
// kernel: kernel.11.cloned.1.call-start
scs
__scs_entry_jumppad:
0x0: {  	(pc) =	sbr.rel $0x88, $3  }
0x1: {  	(tag) =	ssettag $0x0;
	lr =	simm.s32 $0x1  }
0x2: {  	[smem:$0x3F97] =	sst lr;
	_ =	strace $0xD0000000  }
0x3: {  	_ = 	snop  }
0x4: {  	_ = 	snop  }
0x5: {  	_ = 	snop  }
0x6: {  	_ = 	snop  }
0x7: {  	_ = 	snop  }
__scs_overlays_trampoline_lowered:
0x8: {  	[smem:$0x3FA6] =	sst s0  }
0x9: {  	[smem:$0x3FA7] =	sst s1  }
0xa: {  	[smem:$0x3FA8] =	sst s2  }
0xb: {  	[smem:$0x3FA9] =	sst s3  }
0xc: {  	[smem:$0x3FAA] =	sst s4  }
0xd: {  	[smem:$0x3FAB] =	sst s5  }
0xe: {  	[smem:$0x3FAC] =	sst s6  }
0xf: {  	[smem:$0x3FAD] =	sst s7  }
0x10: {  	[smem:$0x3FAE] =	sst s8  }
0x11: {  	[smem:$0x3FAF] =	sst s9;
	s0 =	simm.s32 @!p0 $0x0  }
0x12: {  	s1 =	sld [smem:$0x3F95];
	s0 =	simm.s32 @p0 $0x1  }
0x13: {  	[smem:$0x3FB0] =	sst s0;
	s0 =	simm.s32 @!p1 $0x0  }
0x14: {  	s2 =	sld [smem:$0x3F94];
	s0 =	simm.s32 @p1 $0x1  }
0x15: {  	[smem:$0x3FB1] =	sst s0;
	s0 =	simm.s32 @!p2 $0x0  }
0x16: {  	s3 =	sld [smem:$0x3FDB];
	s0 =	simm.s32 @p2 $0x1  }
0x17: {  	s4 =	simm.s32 $0x1BF5;
	[smem:$0x3FB3] =	sst s0  }
0x18: {  	s0 =	sld [smem:$0x3F96];
	_ =	swait.ge [sflag:s4], $0x0  }
0x19: {  	s7 =	sld [smem:$0x3F97]  }
0x1a: {  	s8 =	sadd.s32 $0xFFFFE003, lr  }
0x1b: {  	s9 =	sadd.s32 $0xFFFFFEF7, lr;
	s5 =	simm.s32 $0xFFFFFFFF;
	p2 =	slt.u32 s8, $0xFFFFF086  }
0x1c: {  	p1 =	slt.u32 s9, $0xF7A;
	s5 =	simm.s32 @!p2 $0x0  }
0x1d: {  	s5 =	simm.s32 @p1 $0x1;
	p0 =	seq.s32 s7, s2  }
0x1e: {  	s7 =	smul.u32 @!p0 $0xF7A, s2;
	p2 =	seq.s32 @!p0 s5, $0x0  }
0x1f: {  	s9 =	smul.u32 $0xF7A, s1;
	s8 =	simm.s32 @!p0 $0x1BF5;
	p2 =	por !p2, p0  }
0x20: {  	[sflag:s8] =	ssyncset.s32 @!p0 $0xFFFFF086;
	s6 =	sadd.s32 @!p0 s3, s7;
	s7 =	simm.s32 @!p0 $0x108  }
0x21: {  	s3 =	sadd.s32 s3, s9;
	s6 =	sadd.s32 @!p0 $0x88, s6;
	s7 =	simm.s32 @p2 $0x1082  }
0x22: {  	[simem:s7], [sflag:s8] =	dma.local @!p0 [hbm:s6], $0xF7A  }
0x23: {  	s9 =	sor.u32 $0xD0000000, s2;
	s6 =	simm.s32 $0x108;
	_ =	swait.ge @!p0 [sflag:s8], $0x0  }
0x24: {  	s3 =	sadd.s32 $0x88, s3;
	s6 =	simm.s32 @!p1 $0x1082;
	[sflag:s4] =	ssyncset.s32 $0xFFFFF086  }
0x25: {  	[simem:s6], [sflag:s4] =	dma.local [hbm:s3], $0xF7A  }
0x26: {  	[smem:$0x3F97] =	sst s1;
	(tag) =	ssettag s2;
	_ =	strace s9  }
0x27: {  	s1 =	sld [smem:$0x3FA7]  }
0x28: {  	s2 =	sld [smem:$0x3FA8]  }
0x29: {  	s4 =	sld [smem:$0x3FAA]  }
0x2a: {  	p0 =	seq.s32 s5, $0x0;
	s5 =	sld [smem:$0x3FAB]  }
0x2b: {  	s6 =	sld [smem:$0x3FAC]  }
0x2c: {  	s7 =	sld [smem:$0x3FAD]  }
0x2d: {  	s3 =	simm.s32 $0x108;
	s8 =	sld [smem:$0x3FAE]  }
0x2e: {  	s3 =	simm.s32 @!p0 $0x1082;
	s9 =	sld [smem:$0x3FAF]  }
0x2f: {  	lr =	sadd.s32 s0, s3;
	s0 =	sld [smem:$0x3FA6]  }
0x30: {  	s3 =	sld [smem:$0x3FA9]  }
0x31: {  	[smem:$0x3FB2] =	sst s10  }
0x32: {  	s10 =	sld [smem:$0x3FB0];
	_ =	sdelay $0x3  }
0x33: {  	p0 =	seq.s32 s10, $0x1;
	s10 =	sld [smem:$0x3FB2];
	_ =	sdelay $0x3  }
0x34: {  	[smem:$0x3FB2] =	sst s10  }
0x35: {  	s10 =	sld [smem:$0x3FB1];
	_ =	sdelay $0x3  }
0x36: {  	p1 =	seq.s32 s10, $0x1;
	s10 =	sld [smem:$0x3FB2];
	_ =	sdelay $0x3  }
0x37: {  	[smem:$0x3FB2] =	sst s10  }
0x38: {  	s10 =	sld [smem:$0x3FB3]  }
0x39: {  	_ = 	snop;
	(pc) =	sbr.ind lr, $3  }
0x3a: {  	_ = 	snop  }
0x3b: {  	_ = 	snop  }
0x3c: {  	p2 =	seq.s32 s10, $0x1;
	s10 =	sld [smem:$0x3FB2]  }
0x3d: {  	_ =	shalt  }
0x3e: {  	_ =	shalt  }
0x3f: {  	_ =	shalt  }
0x40: {  	_ =	shalt  }
0x41: {  	_ =	shalt  }
0x42: {  	_ =	shalt  }
0x43: {  	_ =	shalt  }
0x44: {  	_ =	shalt  }
0x45: {  	_ =	shalt  }
0x46: {  	_ =	shalt  }
0x47: {  	_ =	shalt  }
0x48: {  	_ =	shalt  }
0x49: {  	_ =	shalt  }
0x4a: {  	_ =	shalt  }
0x4b: {  	_ =	shalt  }
0x4c: {  	_ =	shalt  }
0x4d: {  	_ =	shalt  }
0x4e: {  	_ =	shalt  }
0x4f: {  	_ =	shalt  }
0x50: {  	_ =	shalt  }
0x51: {  	_ =	shalt  }
0x52: {  	_ =	shalt  }
0x53: {  	_ =	shalt  }
0x54: {  	_ =	shalt  }
0x55: {  	_ =	shalt  }
0x56: {  	_ =	shalt  }
0x57: {  	_ =	shalt  }
0x58: {  	_ =	shalt  }
0x59: {  	_ =	shalt  }
0x5a: {  	_ =	shalt  }
0x5b: {  	_ =	shalt  }
0x5c: {  	_ =	shalt  }
0x5d: {  	_ =	shalt  }
0x5e: {  	_ =	shalt  }
0x5f: {  	_ =	shalt  }
0x60: {  	_ =	shalt  }
0x61: {  	_ =	shalt  }
0x62: {  	_ =	shalt  }
0x63: {  	_ =	shalt  }
0x64: {  	_ =	shalt  }
0x65: {  	_ =	shalt  }
0x66: {  	_ =	shalt  }
0x67: {  	_ =	shalt  }
0x68: {  	_ =	shalt  }
0x69: {  	_ =	shalt  }
0x6a: {  	_ =	shalt  }
0x6b: {  	_ =	shalt  }
0x6c: {  	_ =	shalt  }
0x6d: {  	_ =	shalt  }
0x6e: {  	_ =	shalt  }
0x6f: {  	_ =	shalt  }
0x70: {  	_ =	shalt  }
0x71: {  	_ =	shalt  }
0x72: {  	_ =	shalt  }
0x73: {  	_ =	shalt  }
0x74: {  	_ =	shalt  }
0x75: {  	_ =	shalt  }
0x76: {  	_ =	shalt  }
0x77: {  	_ =	shalt  }
0x78: {  	_ =	shalt  }
0x79: {  	_ =	shalt  }
0x7a: {  	_ =	shalt  }
0x7b: {  	_ =	shalt  }
0x7c: {  	_ =	shalt  }
0x7d: {  	_ =	shalt  }
0x7e: {  	_ =	shalt  }
0x7f: {  	_ =	shalt  }
0x80: {  	_ =	shalt  }
0x81: {  	_ =	shalt  }
0x82: {  	_ =	shalt  }
0x83: {  	_ =	shalt  }
0x84: {  	_ =	shalt  }
0x85: {  	_ =	shalt  }
0x86: {  	_ =	shalt  }
0x87: {  	_ =	shalt  }
.Lfunc_end0:
.L_simem_size_0:
called_computation_lowered:
.L_overlay_start_0:
0x88: {  	s2 =	sld [smem:$0x3FD9]  }
0x89: {  	s3 =	sld [smem:$0x3FFE];
	_ =	sdelay $0x1  }
0x8a: {  	s1 =	srdreg.scid  }
0x8b: {  	s0 =	sand.u32 $0x1, s1  }
0x8c: {  	s17 =	sshll.u32 s0, $0xA;
	s2 =	sadd.s32 s3, s2  }
0x8d: {  	s2 =	sadd.s32 s2, s17  }
0x8e: {  	[smem:$0x3FBE] =	sst s2  }
0x8f: {  	_ = 	snop  }
0x90: {  	s18 =	sld [smem:$0x3FD0];
	(tm) =	ssettm $0x1  }
0x91: {  	s19 =	sld [smem:$0x3FFB];
	_ =	sdelay $0x3  }
0x92: {  	_ =	strace s19  }
0x93: {  	s2 =	sld [smem:$0x3FFC];
	_ =	sdelay $0x3  }
0x94: {  	_ =	strace s2  }
0x95: {  	s2 =	sld [smem:$0x3FFD];
	_ =	sdelay $0x3  }
0x96: {  	_ =	strace s2  }
0x97: {  	_ =	strace $0x8FFFFFFF  }
0x98: {  	s20 =	sld [smem:$0x3FDB];
	_ =	sdelay $0x1  }
0x99: {  	s4 =	simm.s32 $_scs_section_size  }
0x9a: {  	s5 =	simm.s32 $_size__tile_overlayer_lowered;
	s6 =	simm.s32 $_tile_overlayer_lowered  }
0x9b: {  	s7 =	simm.s32 $0x1BFF;
	s21 =	sshll.u32 s6, $0x1;
	s4 =	sadd.s32 s4, s20  }
0x9c: {  	s22 =	simm.s32 $0x0;
	s5 =	sshll.u32 s5, $0x1;
	s6 =	sadd.s32 s21, s4  }
0x9d: {  	[timem:s22], [sflag:s7] =	dma.local [hbm:s6], s5  }
0x9e: {  	_ =	swait.ge [sflag:s7], s5  }
0x9f: {  	s5 =	ssub.s32 $0x0, s5;
	[sflag:s7] =	ssyncset.done $0x0  }
0xa0: {  	[sflag:s7] =	ssyncadd.s32 s5;
	_ =	sdelay $0x1  }
0xa1: {  	s23 =	simm.s32 $0x1B8B  }
0xa2: {  	_ =	swait.ge [sflag:s23], $0x1  }
0xa3: {  	[sflag:s23] =	ssyncset.done $0x0  }
0xa4: {  	[sflag:s23] =	ssyncadd.s32 $0xFFFFFFFF  }
0xa5: {  	s5 =	sld [smem:$0x0]  }
0xa6: {  	s6 =	sand.u32 $0xFFFFFFFE, s1  }
0xa7: {  	p0 =	sne.s32 s1, s6  }
0xa8: {  	s6 =	sshll.u32 @p0 s6, $0xE  }
0xa9: {  	s6 =	sadd.s32 @p0 $0x11B8D, s6;
	s7 =	sshll.u32 @p0 s5, $0x11  }
0xaa: {  	s6 =	sor.u32 @p0 s7, s6  }
0xab: {  	[sflag:s6] =	ssyncadd.remote.s32 @p0 $0x1;
	_ =	sdelay $0x1  }
0xac: {  	s6 =	simm.s32 @p0 $0x1B8D  }
0xad: {  	_ =	swait.eq @p0 [sflag:s6], $0x1  }
0xae: {  	[sflag:s6] =	ssyncadd.s32 @p0 $0xFFFFFFFF  }
0xaf: {  	s7 =	sshll.u32 @!p0 s1, $0xE  }
0xb0: {  	s7 =	sor.u32 @!p0 $0x4000, s7;
	s6 =	simm.s32 @!p0 $0x1B8D  }
0xb1: {  	s5 =	sshll.u32 @!p0 s5, $0x11;
	s7 =	sadd.s32 @!p0 $0x11B8D, s7;
	_ =	swait.eq @!p0 [sflag:s6], $0x1  }
0xb2: {  	s5 =	sor.u32 @!p0 s5, s7;
	[sflag:s6] =	ssyncadd.s32 @!p0 $0xFFFFFFFF  }
0xb3: {  	s25 =	simm.s32 $0x1B8E;
	s24 =	sld [smem:$0x3FFE];
	[sflag:s5] =	ssyncadd.remote.s32 @!p0 $0x1  }
0xb4: {  	s26 =	simm.s32 $execute0_lowered;
	[smem:$0x3FD2] =	sst s25  }
0xb5: {  	s6 =	sshll.u32 s26, $0x1;
	_ =	strace $0x80000049;
	[dreg:$0x1] =	wrdreg $0xFFFFFFFF  }
0xb6: {  	s28 =	simm.s32 $_size_execute0_lowered;
	s4 =	sadd.s32 s4, s6;
	[dreg:$0x0] =	wrdreg $0x0  }
0xb7: {  	s6 =	sshll.u32 s28, $0x1;
	[dreg:$0x2] =	wrdreg s4  }
0xb8: {  	[dreg:$0x3] =	wrdreg s6  }
0xb9: {  	[dreg:$0x4] =	wrdreg $0xC0  }
0xba: {  	_ =	task [dreg:s22], $0x5FFFF  }
0xbb: {  	[dreg:$0x1] =	wrdreg $0xFFFFFFFF  }
0xbc: {  	[dreg:$0x0] =	wrdreg $0x60  }
0xbd: {  	[dreg:$0x2] =	wrdreg s24  }
0xbe: {  	[dreg:$0x3] =	wrdreg s18  }
0xbf: {  	[dreg:$0x4] =	wrdreg $0x68000  }
0xc0: {  	[dreg:$0x5] =	wrdreg $0x9  }
0xc1: {  	_ =	task.clear_ibuf [dreg:s22], $0x6FFFF;
	_ =	strace $0x90000049  }
0xc2: {  	s29 =	simm.s32 $0x9;
	_ =	strace $0x8000004B  }
0xc3: {  	_ =	swait.ge [sflag:s29], $0x1  }
0xc4: {  	[sflag:s29] =	ssyncadd.s32 $0xFFFFFFFF  }
0xc5: {  	_ =	strace $0x9000004B  }
0xc6: {  	_ =	sfence  }
0xc7: {  	s30 =	sld [smem:$0x0];
	_ =	sdelay $0x2  }
0xc8: {  	s31 =	sshll.u32 s1, $0xD;
	s1 =	sshrl.u32 s1, $0x2  }
0xc9: {  	s4 =	sand.u32 $0x4000, s31;
	s1 =	sadd.s32 s1, s30  }
0xca: {  	s0 =	sor.u32 s4, s0;
	s1 =	sshll.u32 s1, $0x11  }
0xcb: {  	s0 =	sor.u32 s1, s0  }
0xcc: {  	s0 =	sadd.s32 $0x8F2B, s0  }
0xcd: {  	[sflag:s0] =	ssyncadd.remote.s32 $0x1  }
0xce: {  	_ =	sfence.sel $0xFFFF  }
0xcf: {  	[dreg:$0x0] =	wrdreg $0xFFFFFFFF;
	(pc) =	sbr.abs _section_cstart, $3  }
0xd0: {  	[dreg:$0x1] =	wrdreg $0xFFFFFFFF  }
0xd1: {  	_ =	task.clear_ibuf [dreg:s22], $0x2FFFF;
	_ =	strace $0x9FFFFFFF  }
0xd2: {  	(tm) =	ssettm $0x7FFFFFFF  }
0xd3: {  	_ =	shalt  }
tec
execute0_lowered:
.L_overlay_start_1:
0x0: {  	(tag) =	ssettag $0x1  }
0x1: {  	s5 =	rddreg [dreg:$0x0]  }
0x2: {  	s2 =	rddreg [dreg:$0x1]  }
0x3: {  	s3 =	rddreg [dreg:$0x2]  }
0x4: {  	s0 =	rddreg [dreg:$0x3];
	s1 =	stileid.u32  }
0x5: {  	s6 =	srdreg.scid;
	s4 =	simm.s32 $0x0;
	s13 =	simm.s32 $0x50  }
0x6: {  	s14 =	simm.s32 $0x0;
	s7 =	smul.u32 $0x14000, s1;
	s6 =	sand.u32 $0x1, s6  }
0x7: {  	[smem:$0x7FF] =	sst s4;
	s9 =	sshll.u32 s1, $0xB;
	s11 =	smul.u32 $0x50000, s1  }
0x8: {  	s31 =	sshll.u32 s1, $0x6;
	s8 =	smul.u32 $0x140000, s6;
	_ =	strace $0x8000004A  }
0x9: {  	s9 =	sadd.s32 s9, s5;
	s26 =	ssub.s32 $0x2, s6;
	s6 =	sshll.u32 s6, $0xF  }
0xa: {  	s10 =	sshrl.u32 s7, $0x3;
	s28 =	sshrl.u32 s26, $0x1;
	s29 =	sadd.s32 s6, s9  }
0xb: {  	s30 =	sshrl.u32 s11, $0x2;
	s9 =	simm.s32 $0x1;
	s11 =	sor.u32 $0x1C01, s31  }
0xc: {  	s10 =	sadd.s32 s10, s5;
	s7 =	sadd.s32 s7, s8;
	s8 =	ssub.s32 s26, s28  }
0xd: {  	s12 =	sadd.s32 s30, s3;
	s7 =	sshrl.u32 s7, $0x3;
	s6 =	sadd.s32 $0x9D600, s10  }
0xe: {  	s8 =	smax.u32 s8, $0x1;
	s10 =	simm.s32 $0x4000;
	s7 =	sadd.s32 s7, s5  }
0xf: {  	s12 =	sshrl.u32 s12, $0x3;
	s5 =	sadd.s32 $0x5600, s29;
	s7 =	sadd.s32 $0xC5600, s7  }
.LBB2_1:
0x10: {  	[tilespmem:s4], [sflag:$0x1] =	stream.linear.gather [hbm4b:s5+s4], $0x4000, $0x38;
	[tilespmem:$0x9000] =	vst v63  }
0x11: {  	_ =	swait.ge [sflag:s9], $0x4000  }
0x12: {  	[sflag:s9] =	ssyncset.done $0x0  }
0x13: {  	[sflag:s9] =	ssyncadd.s32 $0xFFFFC000  }
0x14: {  	[tilespmem:s10], [sflag:$0x1] =	stream.linear.gather [hbm4b:s2+s4], $0x2800, $0x38;
	[tilespmem:$0x9000] =	vst v63  }
0x15: {  	_ =	swait.ge [sflag:s9], $0x2800  }
0x16: {  	[sflag:s9] =	ssyncset.done $0x0  }
0x17: {  	[sflag:s9] =	ssyncadd.s32 $0xFFFFD800  }
0x18: {  	[spmem:s12], [sflag:s11] =	dma.local [hbm:s6], $0x2800  }
0x19: {  	_ =	swait.ge [sflag:s9], $0x2800  }
0x1a: {  	[sflag:s9] =	ssyncset.done $0x0  }
0x1b: {  	[sflag:s9] =	ssyncadd.s32 $0xFFFFD800  }
0x1c: {  	s15 =	simm.s32 $0x0;
	[bflag:$0x0] =	sbarrier.arrive $0xFFFF  }
0x1d: {  	[spmem:s3] =	stream.indirect.scatter.add.f32 [tilespmem:s10], [sflag:$0x1], $0x10, s15, s13, $0xb8;
	[tilespmem:$0x9000] =	vst v63  }
0x1e: {  	_ =	swait.ge [sflag:s9], $0x500  }
0x1f: {  	s15 =	simm.s32 $0x200;
	[sflag:s9] =	ssyncset.done $0x0  }
.LBB2_2:
0x20: {  	s16 =	sshra.s32 s15, $0x2;
	[sflag:s9] =	ssyncadd.s32 $0xFFFFFB00;
	p0 =	sne.s32 s15, $0xFE00  }
0x21: {  	[spmem:s3] =	stream.indirect.scatter.add.f32 [tilespmem:s10], [sflag:$0x1], $0x10, s16, s13, $0xb8;
	[tilespmem:$0x9000] =	vst v63  }
.Ltmp0:
0x22: {  	_ = 	snop;
	(pc) =	sbr.rel @p0 .LBB2_2-.Ltmp0, $4  }
0x23: {  	_ = 	snop  }
0x24: {  	s15 =	sadd.s32 $0x200, s15  }
0x25: {  	_ =	swait.ge [sflag:s9], $0x500  }
0x26: {  	[sflag:s9] =	ssyncset.done $0x0  }
0x27: {  	s14 =	sadd.s32 $0x1, s14  }
0x28: {  	[sflag:s9] =	ssyncadd.s32 $0xFFFFFB00;
	p0 =	sne.s32 s14, s8  }
.Ltmp1:
0x29: {  	[bflag:$0x0] =	sbarrier.arrive $0xFFFF;
	(pc) =	sbr.rel @p0 .LBB2_1-.Ltmp1, $4  }
0x2a: {  	[hbm:s7], [sflag:s11] =	dma.local [spmem:s12], $0x2800  }
0x2b: {  	_ =	swait.ge [sflag:s9], $0x2800  }
0x2c: {  	[sflag:s9] =	ssyncset.done $0x0  }
0x2d: {  	[sflag:s9] =	ssyncadd.s32 $0xFFFFD800  }
0x2e: {  	_ =	sfence.sel $0x180000  }
0x2f: {  	[bflag:$0x0] =	sbarrier.arrive $0xFFFF  }
0x30: {  	p0 =	sne.s32 s1, $0x0;
	_ =	strace $0x9000004A  }
0x31: {  	s0 =	sadd.s32 @!p0 $0x100000, s0;
	[bflag:$0x2] =	sbarrier.arrive $0xFFFF  }
0x32: {  	[sflag:s0] =	ssyncadd.tile.s32 @!p0 $0x1;
	_ =	shalt  }
.Lfunc_end2:
_tile_overlayer_lowered:
.L_overlay_start_2:
0x33: {  	(tag) =	ssettag $0x2  }
0x34: {  	s0 =	rddreg [dreg:$0x0];
	s2 =	stileid.u32  }
0x35: {  	s1 =	rddreg [dreg:$0x1];
	p0 =	sne.s32 s2, $0x0  }
0x36: {  	s3 =	rddreg [dreg:$0x2];
	[bflag:$0x3] =	sbarrier.arrive $0xFFFF;
	s2 =	simm.s32 @!p0 $0x1C01  }
0x37: {  	[timem:s3], [sflag:s2] =	dma.local @!p0 [hbm:s0], s1  }
0x38: {  	s0 =	simm.s32 @!p0 $0x1  }
0x39: {  	_ =	swait.ge @!p0 [sflag:s0], s1  }
0x3a: {  	s1 =	ssub.s32 @!p0 $0x0, s1;
	[sflag:s0] =	ssyncset.done @!p0 $0x0  }
0x3b: {  	[sflag:s0] =	ssyncadd.s32 @!p0 s1  }
0x3c: {  	[bflag:$0x3] =	sbarrier.arrive $0xFFFF  }
0x3d: {  	_ =	shalt  }

// kernel: kernel.14.cloned.1.call-start
scs
__scs_entry_jumppad:
0x0: {  	(pc) =	sbr.rel $0x88, $3  }
0x1: {  	(tag) =	ssettag $0x0;
	lr =	simm.s32 $0x1  }
0x2: {  	[smem:$0x3F97] =	sst lr;
	_ =	strace $0xD0000000  }
0x3: {  	_ = 	snop  }
0x4: {  	_ = 	snop  }
0x5: {  	_ = 	snop  }
0x6: {  	_ = 	snop  }
0x7: {  	_ = 	snop  }
__scs_overlays_trampoline_lowered:
0x8: {  	[smem:$0x3FA6] =	sst s0  }
0x9: {  	[smem:$0x3FA7] =	sst s1  }
0xa: {  	[smem:$0x3FA8] =	sst s2  }
0xb: {  	[smem:$0x3FA9] =	sst s3  }
0xc: {  	[smem:$0x3FAA] =	sst s4  }
0xd: {  	[smem:$0x3FAB] =	sst s5  }
0xe: {  	[smem:$0x3FAC] =	sst s6  }
0xf: {  	[smem:$0x3FAD] =	sst s7  }
0x10: {  	[smem:$0x3FAE] =	sst s8  }
0x11: {  	[smem:$0x3FAF] =	sst s9;
	s0 =	simm.s32 @!p0 $0x0  }
0x12: {  	s1 =	sld [smem:$0x3F95];
	s0 =	simm.s32 @p0 $0x1  }
0x13: {  	[smem:$0x3FB0] =	sst s0;
	s0 =	simm.s32 @!p1 $0x0  }
0x14: {  	s2 =	sld [smem:$0x3F94];
	s0 =	simm.s32 @p1 $0x1  }
0x15: {  	[smem:$0x3FB1] =	sst s0;
	s0 =	simm.s32 @!p2 $0x0  }
0x16: {  	s3 =	sld [smem:$0x3FDB];
	s0 =	simm.s32 @p2 $0x1  }
0x17: {  	s4 =	simm.s32 $0x1BF5;
	[smem:$0x3FB3] =	sst s0  }
0x18: {  	s0 =	sld [smem:$0x3F96];
	_ =	swait.ge [sflag:s4], $0x0  }
0x19: {  	s7 =	sld [smem:$0x3F97]  }
0x1a: {  	s8 =	sadd.s32 $0xFFFFE003, lr  }
0x1b: {  	s9 =	sadd.s32 $0xFFFFFEF7, lr;
	s5 =	simm.s32 $0xFFFFFFFF;
	p2 =	slt.u32 s8, $0xFFFFF086  }
0x1c: {  	p1 =	slt.u32 s9, $0xF7A;
	s5 =	simm.s32 @!p2 $0x0  }
0x1d: {  	s5 =	simm.s32 @p1 $0x1;
	p0 =	seq.s32 s7, s2  }
0x1e: {  	s7 =	smul.u32 @!p0 $0xF7A, s2;
	p2 =	seq.s32 @!p0 s5, $0x0  }
0x1f: {  	s9 =	smul.u32 $0xF7A, s1;
	s8 =	simm.s32 @!p0 $0x1BF5;
	p2 =	por !p2, p0  }
0x20: {  	[sflag:s8] =	ssyncset.s32 @!p0 $0xFFFFF086;
	s6 =	sadd.s32 @!p0 s3, s7;
	s7 =	simm.s32 @!p0 $0x108  }
0x21: {  	s3 =	sadd.s32 s3, s9;
	s6 =	sadd.s32 @!p0 $0x88, s6;
	s7 =	simm.s32 @p2 $0x1082  }
0x22: {  	[simem:s7], [sflag:s8] =	dma.local @!p0 [hbm:s6], $0xF7A  }
0x23: {  	s9 =	sor.u32 $0xD0000000, s2;
	s6 =	simm.s32 $0x108;
	_ =	swait.ge @!p0 [sflag:s8], $0x0  }
0x24: {  	s3 =	sadd.s32 $0x88, s3;
	s6 =	simm.s32 @!p1 $0x1082;
	[sflag:s4] =	ssyncset.s32 $0xFFFFF086  }
0x25: {  	[simem:s6], [sflag:s4] =	dma.local [hbm:s3], $0xF7A  }
0x26: {  	[smem:$0x3F97] =	sst s1;
	(tag) =	ssettag s2;
	_ =	strace s9  }
0x27: {  	s1 =	sld [smem:$0x3FA7]  }
0x28: {  	s2 =	sld [smem:$0x3FA8]  }
0x29: {  	s4 =	sld [smem:$0x3FAA]  }
0x2a: {  	p0 =	seq.s32 s5, $0x0;
	s5 =	sld [smem:$0x3FAB]  }
0x2b: {  	s6 =	sld [smem:$0x3FAC]  }
0x2c: {  	s7 =	sld [smem:$0x3FAD]  }
0x2d: {  	s3 =	simm.s32 $0x108;
	s8 =	sld [smem:$0x3FAE]  }
0x2e: {  	s3 =	simm.s32 @!p0 $0x1082;
	s9 =	sld [smem:$0x3FAF]  }
0x2f: {  	lr =	sadd.s32 s0, s3;
	s0 =	sld [smem:$0x3FA6]  }
0x30: {  	s3 =	sld [smem:$0x3FA9]  }
0x31: {  	[smem:$0x3FB2] =	sst s10  }
0x32: {  	s10 =	sld [smem:$0x3FB0];
	_ =	sdelay $0x3  }
0x33: {  	p0 =	seq.s32 s10, $0x1;
	s10 =	sld [smem:$0x3FB2];
	_ =	sdelay $0x3  }
0x34: {  	[smem:$0x3FB2] =	sst s10  }
0x35: {  	s10 =	sld [smem:$0x3FB1];
	_ =	sdelay $0x3  }
0x36: {  	p1 =	seq.s32 s10, $0x1;
	s10 =	sld [smem:$0x3FB2];
	_ =	sdelay $0x3  }
0x37: {  	[smem:$0x3FB2] =	sst s10  }
0x38: {  	s10 =	sld [smem:$0x3FB3]  }
0x39: {  	_ = 	snop;
	(pc) =	sbr.ind lr, $3  }
0x3a: {  	_ = 	snop  }
0x3b: {  	_ = 	snop  }
0x3c: {  	p2 =	seq.s32 s10, $0x1;
	s10 =	sld [smem:$0x3FB2]  }
0x3d: {  	_ =	shalt  }
0x3e: {  	_ =	shalt  }
0x3f: {  	_ =	shalt  }
0x40: {  	_ =	shalt  }
0x41: {  	_ =	shalt  }
0x42: {  	_ =	shalt  }
0x43: {  	_ =	shalt  }
0x44: {  	_ =	shalt  }
0x45: {  	_ =	shalt  }
0x46: {  	_ =	shalt  }
0x47: {  	_ =	shalt  }
0x48: {  	_ =	shalt  }
0x49: {  	_ =	shalt  }
0x4a: {  	_ =	shalt  }
0x4b: {  	_ =	shalt  }
0x4c: {  	_ =	shalt  }
0x4d: {  	_ =	shalt  }
0x4e: {  	_ =	shalt  }
0x4f: {  	_ =	shalt  }
0x50: {  	_ =	shalt  }
0x51: {  	_ =	shalt  }
0x52: {  	_ =	shalt  }
0x53: {  	_ =	shalt  }
0x54: {  	_ =	shalt  }
0x55: {  	_ =	shalt  }
0x56: {  	_ =	shalt  }
0x57: {  	_ =	shalt  }
0x58: {  	_ =	shalt  }
0x59: {  	_ =	shalt  }
0x5a: {  	_ =	shalt  }
0x5b: {  	_ =	shalt  }
0x5c: {  	_ =	shalt  }
0x5d: {  	_ =	shalt  }
0x5e: {  	_ =	shalt  }
0x5f: {  	_ =	shalt  }
0x60: {  	_ =	shalt  }
0x61: {  	_ =	shalt  }
0x62: {  	_ =	shalt  }
0x63: {  	_ =	shalt  }
0x64: {  	_ =	shalt  }
0x65: {  	_ =	shalt  }
0x66: {  	_ =	shalt  }
0x67: {  	_ =	shalt  }
0x68: {  	_ =	shalt  }
0x69: {  	_ =	shalt  }
0x6a: {  	_ =	shalt  }
0x6b: {  	_ =	shalt  }
0x6c: {  	_ =	shalt  }
0x6d: {  	_ =	shalt  }
0x6e: {  	_ =	shalt  }
0x6f: {  	_ =	shalt  }
0x70: {  	_ =	shalt  }
0x71: {  	_ =	shalt  }
0x72: {  	_ =	shalt  }
0x73: {  	_ =	shalt  }
0x74: {  	_ =	shalt  }
0x75: {  	_ =	shalt  }
0x76: {  	_ =	shalt  }
0x77: {  	_ =	shalt  }
0x78: {  	_ =	shalt  }
0x79: {  	_ =	shalt  }
0x7a: {  	_ =	shalt  }
0x7b: {  	_ =	shalt  }
0x7c: {  	_ =	shalt  }
0x7d: {  	_ =	shalt  }
0x7e: {  	_ =	shalt  }
0x7f: {  	_ =	shalt  }
0x80: {  	_ =	shalt  }
0x81: {  	_ =	shalt  }
0x82: {  	_ =	shalt  }
0x83: {  	_ =	shalt  }
0x84: {  	_ =	shalt  }
0x85: {  	_ =	shalt  }
0x86: {  	_ =	shalt  }
0x87: {  	_ =	shalt  }
.Lfunc_end0:
.L_simem_size_0:
called_computation.1_lowered:
.L_overlay_start_0:
0x88: {  	s2 =	sld [smem:$0x3FD9]  }
0x89: {  	s3 =	sld [smem:$0x3FFE];
	_ =	sdelay $0x1  }
0x8a: {  	s1 =	srdreg.scid  }
0x8b: {  	s0 =	sand.u32 $0x1, s1  }
0x8c: {  	s17 =	sshll.u32 s0, $0xA;
	s2 =	sadd.s32 s3, s2  }
0x8d: {  	s2 =	sadd.s32 s2, s17  }
0x8e: {  	[smem:$0x3FBE] =	sst s2  }
0x8f: {  	_ = 	snop  }
0x90: {  	s2 =	sld [smem:$0x3FC9];
	(tm) =	ssettm $0x1  }
0x91: {  	s18 =	sld [smem:$0x3FFB];
	_ =	sdelay $0x3  }
0x92: {  	_ =	strace s18  }
0x93: {  	s3 =	sld [smem:$0x3FFC];
	_ =	sdelay $0x3  }
0x94: {  	_ =	strace s3  }
0x95: {  	s3 =	sld [smem:$0x3FFD];
	_ =	sdelay $0x3  }
0x96: {  	_ =	strace s3  }
0x97: {  	_ =	strace $0x8FFFFFFF  }
0x98: {  	s19 =	sld [smem:$0x3FDB];
	_ =	sdelay $0x1  }
0x99: {  	s4 =	simm.s32 $_scs_section_size  }
0x9a: {  	s5 =	simm.s32 $_size__tile_overlayer_lowered;
	s6 =	simm.s32 $_tile_overlayer_lowered  }
0x9b: {  	s22 =	simm.s32 $0x1BFF;
	s21 =	sshll.u32 s6, $0x1;
	s3 =	sadd.s32 s4, s19  }
0x9c: {  	s7 =	simm.s32 $0x0;
	s20 =	sshll.u32 s5, $0x1;
	s5 =	sadd.s32 s21, s3  }
0x9d: {  	[timem:s7], [sflag:s22] =	dma.local [hbm:s5], s20  }
0x9e: {  	_ =	swait.ge [sflag:s22], s20  }
0x9f: {  	s4 =	ssub.s32 $0x0, s20;
	[sflag:s22] =	ssyncset.done $0x0  }
0xa0: {  	[sflag:s22] =	ssyncadd.s32 s4;
	_ =	sdelay $0x1  }
0xa1: {  	s23 =	simm.s32 $0x1B8B  }
0xa2: {  	_ =	swait.ge [sflag:s23], $0x1  }
0xa3: {  	[sflag:s23] =	ssyncset.done $0x0  }
0xa4: {  	s25 =	simm.s32 $0x1B8E;
	s24 =	sld [smem:$0x3FFE];
	[sflag:s23] =	ssyncadd.s32 $0xFFFFFFFF  }
0xa5: {  	s26 =	simm.s32 $execute0_lowered;
	[smem:$0x3FD2] =	sst s25  }
0xa6: {  	s5 =	sshll.u32 s26, $0x1;
	_ =	strace $0x80000046;
	[dreg:$0x1] =	wrdreg $0xFFFFFFFF  }
0xa7: {  	s28 =	simm.s32 $_size_execute0_lowered;
	s3 =	sadd.s32 s3, s5;
	[dreg:$0x0] =	wrdreg $0x0  }
0xa8: {  	s5 =	sshll.u32 s28, $0x1;
	[dreg:$0x2] =	wrdreg s3  }
0xa9: {  	[dreg:$0x3] =	wrdreg s5  }
0xaa: {  	[dreg:$0x4] =	wrdreg $0xC0  }
0xab: {  	_ =	task [dreg:s7], $0x5FFFF  }
0xac: {  	[dreg:$0x1] =	wrdreg $0xFFFFFFFF  }
0xad: {  	[dreg:$0x0] =	wrdreg $0x60  }
0xae: {  	[dreg:$0x2] =	wrdreg s2  }
0xaf: {  	[dreg:$0x3] =	wrdreg s24  }
0xb0: {  	[dreg:$0x4] =	wrdreg $0xA8000  }
0xb1: {  	[dreg:$0x5] =	wrdreg $0xA  }
0xb2: {  	_ =	task.clear_ibuf [dreg:s7], $0x6FFFF;
	_ =	strace $0x90000046  }
0xb3: {  	s29 =	simm.s32 $0xA;
	_ =	strace $0x80000048  }
0xb4: {  	_ =	swait.ge [sflag:s29], $0x1  }
0xb5: {  	[sflag:s29] =	ssyncadd.s32 $0xFFFFFFFF  }
0xb6: {  	_ =	strace $0x90000048  }
0xb7: {  	_ =	sfence  }
0xb8: {  	s30 =	sld [smem:$0x0];
	_ =	sdelay $0x2  }
0xb9: {  	s31 =	sshll.u32 s1, $0xD;
	s1 =	sshrl.u32 s1, $0x2  }
0xba: {  	s3 =	sand.u32 $0x4000, s31;
	s1 =	sadd.s32 s1, s30  }
0xbb: {  	s0 =	sor.u32 s3, s0;
	s1 =	sshll.u32 s1, $0x11  }
0xbc: {  	s0 =	sor.u32 s1, s0  }
0xbd: {  	s0 =	sadd.s32 $0x8F2B, s0  }
0xbe: {  	[sflag:s0] =	ssyncadd.remote.s32 $0x1  }
0xbf: {  	_ =	sfence.sel $0xFFFF  }
0xc0: {  	[dreg:$0x0] =	wrdreg $0xFFFFFFFF;
	(pc) =	sbr.abs _section_cstart, $3  }
0xc1: {  	[dreg:$0x1] =	wrdreg $0xFFFFFFFF  }
0xc2: {  	_ =	task.clear_ibuf [dreg:s7], $0x2FFFF;
	_ =	strace $0x9FFFFFFF  }
0xc3: {  	(tm) =	ssettm $0x7FFFFFFF  }
tec
execute0_lowered:
.L_overlay_start_1:
0x0: {  	(tag) =	ssettag $0x1  }
0x1: {  	s1 =	rddreg [dreg:$0x0]  }
0x2: {  	s5 =	rddreg [dreg:$0x1]  }
0x3: {  	s3 =	rddreg [dreg:$0x2]  }
0x4: {  	s0 =	rddreg [dreg:$0x3];
	s6 =	srdreg.scid  }
0x5: {  	s4 =	simm.s32 $0x0;
	s2 =	stileid.u32;
	s14 =	simm.s32 $0x50  }
0x6: {  	s15 =	simm.s32 $0x8000;
	s16 =	simm.s32 $0x1;
	s17 =	simm.s32 $0x0  }
0x7: {  	s6 =	sand.u32 $0x1, s6;
	s8 =	sshll.u32 s2, $0xB;
	s9 =	smul.u32 $0x14000, s2  }
0x8: {  	[smem:$0x7FF] =	sst s4;
	s31 =	smul.u32 $0x50000, s2;
	s12 =	sshll.u32 s2, $0x6  }
0x9: {  	s7 =	sshll.u32 s6, $0xF;
	s30 =	smul.u32 $0x140000, s6;
	_ =	strace $0x80000047  }
0xa: {  	s6 =	ssub.s32 $0x2, s6;
	s12 =	sor.u32 $0x1C02, s12;
	s7 =	sor.u32 s8, s7  }
0xb: {  	s10 =	sshrl.u32 s9, $0x3;
	s11 =	sshrl.u32 s6, $0x1;
	s7 =	sadd.s32 s7, s5  }
0xc: {  	s8 =	sadd.s32 s9, s30;
	s10 =	sadd.s32 s10, s5;
	s11 =	ssub.s32 s6, s11  }
0xd: {  	s9 =	sshrl.u32 s31, $0x2;
	s8 =	sshrl.u32 s8, $0x3;
	s6 =	sadd.s32 $0x5600, s7  }
0xe: {  	s13 =	sadd.s32 s9, s3;
	s9 =	smax.u32 s11, $0x1;
	s11 =	simm.s32 $0x4000  }
0xf: {  	s8 =	sadd.s32 s8, s5;
	s5 =	sadd.s32 $0x15600, s7;
	s7 =	sadd.s32 $0x25600, s10  }
0x10: {  	s10 =	simm.s32 $0x2;
	s13 =	sshrl.u32 s13, $0x3;
	s8 =	sadd.s32 $0x4D600, s8  }
.LBB2_1:
0x11: {  	[tilespmem:s4], [sflag:$0x2] =	stream.linear.gather [hbm4b:s5+s4], $0x4000, $0x38;
	[tilespmem:$0x1E800] =	vst v63  }
0x12: {  	_ =	swait.ge [sflag:s10], $0x4000  }
0x13: {  	[sflag:s10] =	ssyncset.done $0x0  }
0x14: {  	[sflag:s10] =	ssyncadd.s32 $0xFFFFC000  }
0x15: {  	[tilespmem:s11], [sflag:$0x2] =	stream.linear.gather [hbm4b:s6+s4], $0x4000, $0x38;
	[tilespmem:$0x1E800] =	vst v63  }
0x16: {  	_ =	swait.ge [sflag:s10], $0x4000  }
0x17: {  	[sflag:s10] =	ssyncset.done $0x0  }
0x18: {  	[sflag:s10] =	ssyncadd.s32 $0xFFFFC000  }
0x19: {  	[spmem:s13], [sflag:s12] =	dma.local [hbm:s7], $0x2800  }
0x1a: {  	_ =	swait.ge [sflag:s10], $0x2800  }
0x1b: {  	[sflag:s10] =	ssyncset.done $0x0  }
0x1c: {  	[sflag:s10] =	ssyncadd.s32 $0xFFFFD800  }
0x1d: {  	s18 =	simm.s32 $0x0;
	[bflag:$0x0] =	sbarrier.arrive $0xFFFF  }
0x1e: {  	[tilespmem:s15], [sflag:$0x1] =	stream.indirect.gather [hbm4b:s1+s14], $0x80, s18, s14, $0xb8;
	[tilespmem:$0x1E800] =	vst v63  }
0x1f: {  	_ =	swait.ge [sflag:s16], $0x2800  }
0x20: {  	[sflag:s16] =	ssyncset.done $0x0  }
0x21: {  	s31 =	simm.s32 $0x4000;
	[sflag:s16] =	ssyncadd.s32 $0xFFFFD800  }
0x22: {  	[spmem:s3] =	stream.indirect.scatter.add.f32 [tilespmem:s15], [sflag:$0x2], $0x80, s31, s14, $0xb8;
	[tilespmem:$0x1E800] =	vst v63  }
0x23: {  	_ =	swait.ge [sflag:s10], $0x2800  }
0x24: {  	s19 =	simm.s32 $0x400;
	s18 =	simm.s32 $0x200;
	[sflag:s10] =	ssyncset.done $0x0  }
.LBB2_2:
0x25: {  	s20 =	sshra.s32 s18, $0x2  }
0x26: {  	[sflag:s10] =	ssyncadd.s32 $0xFFFFD800;
	s18 =	smov.u32 s19;
	s21 =	sadd.s32 $0x200, s19  }
0x27: {  	[tilespmem:s15], [sflag:$0x1] =	stream.indirect.gather [hbm4b:s1+s14], $0x80, s20, s14, $0xb8;
	[tilespmem:$0x1E800] =	vst v63  }
0x28: {  	p0 =	sne.s32 s19, $0xFE00;
	_ =	swait.ge [sflag:s16], $0x2800  }
.Ltmp0:
0x29: {  	[sflag:s16] =	ssyncset.done $0x0;
	(pc) =	sbr.rel @p0 .LBB2_2-.Ltmp0, $4  }
0x2a: {  	s19 =	sadd.s32 $0x4000, s20;
	[sflag:s16] =	ssyncadd.s32 $0xFFFFD800  }
0x2b: {  	[spmem:s3] =	stream.indirect.scatter.add.f32 [tilespmem:s15], [sflag:$0x2], $0x80, s19, s14, $0xb8;
	[tilespmem:$0x1E800] =	vst v63  }
0x2c: {  	_ =	swait.ge [sflag:s10], $0x2800  }
0x2d: {  	s19 =	smov.u32 s21;
	[sflag:s10] =	ssyncset.done $0x0  }
0x2e: {  	s18 =	sshra.s32 s18, $0x2;
	[sflag:s10] =	ssyncadd.s32 $0xFFFFD800  }
0x2f: {  	[tilespmem:s15], [sflag:$0x1] =	stream.indirect.gather [hbm4b:s1+s14], $0x80, s18, s14, $0xb8;
	[tilespmem:$0x1E800] =	vst v63  }
0x30: {  	_ =	swait.ge [sflag:s16], $0x2800  }
0x31: {  	[sflag:s16] =	ssyncset.done $0x0  }
0x32: {  	s18 =	sadd.s32 $0x4000, s18;
	[sflag:s16] =	ssyncadd.s32 $0xFFFFD800  }
0x33: {  	[spmem:s3] =	stream.indirect.scatter.add.f32 [tilespmem:s15], [sflag:$0x2], $0x80, s18, s14, $0xb8;
	[tilespmem:$0x1E800] =	vst v63  }
0x34: {  	_ =	swait.ge [sflag:s10], $0x2800  }
0x35: {  	s17 =	sadd.s32 $0x1, s17;
	[sflag:s10] =	ssyncset.done $0x0  }
0x36: {  	p0 =	sne.s32 s17, s9;
	[sflag:s10] =	ssyncadd.s32 $0xFFFFD800  }
.Ltmp1:
0x37: {  	[bflag:$0x0] =	sbarrier.arrive $0xFFFF;
	(pc) =	sbr.rel @p0 .LBB2_1-.Ltmp1, $4  }
0x38: {  	[hbm:s8], [sflag:s12] =	dma.local [spmem:s13], $0x2800  }
0x39: {  	_ =	swait.ge [sflag:s10], $0x2800  }
0x3a: {  	[sflag:s10] =	ssyncset.done $0x0  }
0x3b: {  	[sflag:s10] =	ssyncadd.s32 $0xFFFFD800  }
0x3c: {  	_ =	sfence.sel $0x180000  }
0x3d: {  	[bflag:$0x0] =	sbarrier.arrive $0xFFFF  }
0x3e: {  	p0 =	sne.s32 s2, $0x0;
	_ =	strace $0x90000047  }
0x3f: {  	s0 =	sadd.s32 @!p0 $0x100000, s0;
	[bflag:$0x2] =	sbarrier.arrive $0xFFFF  }
0x40: {  	[sflag:s0] =	ssyncadd.tile.s32 @!p0 $0x1;
	_ =	shalt  }
.Lfunc_end2:
_tile_overlayer_lowered:
.L_overlay_start_2:
0x41: {  	(tag) =	ssettag $0x2  }
0x42: {  	s0 =	rddreg [dreg:$0x0];
	s2 =	stileid.u32  }
0x43: {  	s1 =	rddreg [dreg:$0x1];
	p0 =	sne.s32 s2, $0x0  }
0x44: {  	s3 =	rddreg [dreg:$0x2];
	[bflag:$0x3] =	sbarrier.arrive $0xFFFF;
	s2 =	simm.s32 @!p0 $0x1C02  }
0x45: {  	[timem:s3], [sflag:s2] =	dma.local @!p0 [hbm:s0], s1  }
0x46: {  	s0 =	simm.s32 @!p0 $0x2  }
0x47: {  	_ =	swait.ge @!p0 [sflag:s0], s1  }
0x48: {  	s1 =	ssub.s32 @!p0 $0x0, s1;
	[sflag:s0] =	ssyncset.done @!p0 $0x0  }
0x49: {  	[sflag:s0] =	ssyncadd.s32 @!p0 s1  }
0x4a: {  	[bflag:$0x3] =	sbarrier.arrive $0xFFFF  }
0x4b: {  	_ =	shalt  }

// kernel: kernel.17.cloned.1.call-start
scs
__scs_entry_jumppad:
0x0: {  	(pc) =	sbr.rel $0x88, $3  }
0x1: {  	(tag) =	ssettag $0x0;
	lr =	simm.s32 $0x1  }
0x2: {  	[smem:$0x3F97] =	sst lr;
	_ =	strace $0xD0000000  }
0x3: {  	_ = 	snop  }
0x4: {  	_ = 	snop  }
0x5: {  	_ = 	snop  }
0x6: {  	_ = 	snop  }
0x7: {  	_ = 	snop  }
__scs_overlays_trampoline_lowered:
0x8: {  	[smem:$0x3FA6] =	sst s0  }
0x9: {  	[smem:$0x3FA7] =	sst s1  }
0xa: {  	[smem:$0x3FA8] =	sst s2  }
0xb: {  	[smem:$0x3FA9] =	sst s3  }
0xc: {  	[smem:$0x3FAA] =	sst s4  }
0xd: {  	[smem:$0x3FAB] =	sst s5  }
0xe: {  	[smem:$0x3FAC] =	sst s6  }
0xf: {  	[smem:$0x3FAD] =	sst s7  }
0x10: {  	[smem:$0x3FAE] =	sst s8  }
0x11: {  	[smem:$0x3FAF] =	sst s9;
	s0 =	simm.s32 @!p0 $0x0  }
0x12: {  	s1 =	sld [smem:$0x3F95];
	s0 =	simm.s32 @p0 $0x1  }
0x13: {  	[smem:$0x3FB0] =	sst s0;
	s0 =	simm.s32 @!p1 $0x0  }
0x14: {  	s2 =	sld [smem:$0x3F94];
	s0 =	simm.s32 @p1 $0x1  }
0x15: {  	[smem:$0x3FB1] =	sst s0;
	s0 =	simm.s32 @!p2 $0x0  }
0x16: {  	s3 =	sld [smem:$0x3FDB];
	s0 =	simm.s32 @p2 $0x1  }
0x17: {  	s4 =	simm.s32 $0x1BF5;
	[smem:$0x3FB3] =	sst s0  }
0x18: {  	s0 =	sld [smem:$0x3F96];
	_ =	swait.ge [sflag:s4], $0x0  }
0x19: {  	s7 =	sld [smem:$0x3F97]  }
0x1a: {  	s8 =	sadd.s32 $0xFFFFE003, lr  }
0x1b: {  	s9 =	sadd.s32 $0xFFFFFEF7, lr;
	s5 =	simm.s32 $0xFFFFFFFF;
	p2 =	slt.u32 s8, $0xFFFFF086  }
0x1c: {  	p1 =	slt.u32 s9, $0xF7A;
	s5 =	simm.s32 @!p2 $0x0  }
0x1d: {  	s5 =	simm.s32 @p1 $0x1;
	p0 =	seq.s32 s7, s2  }
0x1e: {  	s7 =	smul.u32 @!p0 $0xF7A, s2;
	p2 =	seq.s32 @!p0 s5, $0x0  }
0x1f: {  	s9 =	smul.u32 $0xF7A, s1;
	s8 =	simm.s32 @!p0 $0x1BF5;
	p2 =	por !p2, p0  }
0x20: {  	[sflag:s8] =	ssyncset.s32 @!p0 $0xFFFFF086;
	s6 =	sadd.s32 @!p0 s3, s7;
	s7 =	simm.s32 @!p0 $0x108  }
0x21: {  	s3 =	sadd.s32 s3, s9;
	s6 =	sadd.s32 @!p0 $0x88, s6;
	s7 =	simm.s32 @p2 $0x1082  }
0x22: {  	[simem:s7], [sflag:s8] =	dma.local @!p0 [hbm:s6], $0xF7A  }
0x23: {  	s9 =	sor.u32 $0xD0000000, s2;
	s6 =	simm.s32 $0x108;
	_ =	swait.ge @!p0 [sflag:s8], $0x0  }
0x24: {  	s3 =	sadd.s32 $0x88, s3;
	s6 =	simm.s32 @!p1 $0x1082;
	[sflag:s4] =	ssyncset.s32 $0xFFFFF086  }
0x25: {  	[simem:s6], [sflag:s4] =	dma.local [hbm:s3], $0xF7A  }
0x26: {  	[smem:$0x3F97] =	sst s1;
	(tag) =	ssettag s2;
	_ =	strace s9  }
0x27: {  	s1 =	sld [smem:$0x3FA7]  }
0x28: {  	s2 =	sld [smem:$0x3FA8]  }
0x29: {  	s4 =	sld [smem:$0x3FAA]  }
0x2a: {  	p0 =	seq.s32 s5, $0x0;
	s5 =	sld [smem:$0x3FAB]  }
0x2b: {  	s6 =	sld [smem:$0x3FAC]  }
0x2c: {  	s7 =	sld [smem:$0x3FAD]  }
0x2d: {  	s3 =	simm.s32 $0x108;
	s8 =	sld [smem:$0x3FAE]  }
0x2e: {  	s3 =	simm.s32 @!p0 $0x1082;
	s9 =	sld [smem:$0x3FAF]  }
0x2f: {  	lr =	sadd.s32 s0, s3;
	s0 =	sld [smem:$0x3FA6]  }
0x30: {  	s3 =	sld [smem:$0x3FA9]  }
0x31: {  	[smem:$0x3FB2] =	sst s10  }
0x32: {  	s10 =	sld [smem:$0x3FB0];
	_ =	sdelay $0x3  }
0x33: {  	p0 =	seq.s32 s10, $0x1;
	s10 =	sld [smem:$0x3FB2];
	_ =	sdelay $0x3  }
0x34: {  	[smem:$0x3FB2] =	sst s10  }
0x35: {  	s10 =	sld [smem:$0x3FB1];
	_ =	sdelay $0x3  }
0x36: {  	p1 =	seq.s32 s10, $0x1;
	s10 =	sld [smem:$0x3FB2];
	_ =	sdelay $0x3  }
0x37: {  	[smem:$0x3FB2] =	sst s10  }
0x38: {  	s10 =	sld [smem:$0x3FB3]  }
0x39: {  	_ = 	snop;
	(pc) =	sbr.ind lr, $3  }
0x3a: {  	_ = 	snop  }
0x3b: {  	_ = 	snop  }
0x3c: {  	p2 =	seq.s32 s10, $0x1;
	s10 =	sld [smem:$0x3FB2]  }
0x3d: {  	_ =	shalt  }
0x3e: {  	_ =	shalt  }
0x3f: {  	_ =	shalt  }
0x40: {  	_ =	shalt  }
0x41: {  	_ =	shalt  }
0x42: {  	_ =	shalt  }
0x43: {  	_ =	shalt  }
0x44: {  	_ =	shalt  }
0x45: {  	_ =	shalt  }
0x46: {  	_ =	shalt  }
0x47: {  	_ =	shalt  }
0x48: {  	_ =	shalt  }
0x49: {  	_ =	shalt  }
0x4a: {  	_ =	shalt  }
0x4b: {  	_ =	shalt  }
0x4c: {  	_ =	shalt  }
0x4d: {  	_ =	shalt  }
0x4e: {  	_ =	shalt  }
0x4f: {  	_ =	shalt  }
0x50: {  	_ =	shalt  }
0x51: {  	_ =	shalt  }
0x52: {  	_ =	shalt  }
0x53: {  	_ =	shalt  }
0x54: {  	_ =	shalt  }
0x55: {  	_ =	shalt  }
0x56: {  	_ =	shalt  }
0x57: {  	_ =	shalt  }
0x58: {  	_ =	shalt  }
0x59: {  	_ =	shalt  }
0x5a: {  	_ =	shalt  }
0x5b: {  	_ =	shalt  }
0x5c: {  	_ =	shalt  }
0x5d: {  	_ =	shalt  }
0x5e: {  	_ =	shalt  }
0x5f: {  	_ =	shalt  }
0x60: {  	_ =	shalt  }
0x61: {  	_ =	shalt  }
0x62: {  	_ =	shalt  }
0x63: {  	_ =	shalt  }
0x64: {  	_ =	shalt  }
0x65: {  	_ =	shalt  }
0x66: {  	_ =	shalt  }
0x67: {  	_ =	shalt  }
0x68: {  	_ =	shalt  }
0x69: {  	_ =	shalt  }
0x6a: {  	_ =	shalt  }
0x6b: {  	_ =	shalt  }
0x6c: {  	_ =	shalt  }
0x6d: {  	_ =	shalt  }
0x6e: {  	_ =	shalt  }
0x6f: {  	_ =	shalt  }
0x70: {  	_ =	shalt  }
0x71: {  	_ =	shalt  }
0x72: {  	_ =	shalt  }
0x73: {  	_ =	shalt  }
0x74: {  	_ =	shalt  }
0x75: {  	_ =	shalt  }
0x76: {  	_ =	shalt  }
0x77: {  	_ =	shalt  }
0x78: {  	_ =	shalt  }
0x79: {  	_ =	shalt  }
0x7a: {  	_ =	shalt  }
0x7b: {  	_ =	shalt  }
0x7c: {  	_ =	shalt  }
0x7d: {  	_ =	shalt  }
0x7e: {  	_ =	shalt  }
0x7f: {  	_ =	shalt  }
0x80: {  	_ =	shalt  }
0x81: {  	_ =	shalt  }
0x82: {  	_ =	shalt  }
0x83: {  	_ =	shalt  }
0x84: {  	_ =	shalt  }
0x85: {  	_ =	shalt  }
0x86: {  	_ =	shalt  }
0x87: {  	_ =	shalt  }
.Lfunc_end0:
.L_simem_size_0:
called_computation.2_lowered:
.L_overlay_start_0:
0x88: {  	s2 =	sld [smem:$0x3FD9]  }
0x89: {  	s3 =	sld [smem:$0x3FFE];
	_ =	sdelay $0x1  }
0x8a: {  	s1 =	srdreg.scid  }
0x8b: {  	s0 =	sand.u32 $0x1, s1  }
0x8c: {  	s17 =	sshll.u32 s0, $0xA;
	s2 =	sadd.s32 s3, s2  }
0x8d: {  	s2 =	sadd.s32 s2, s17  }
0x8e: {  	[smem:$0x3FBE] =	sst s2  }
0x8f: {  	_ = 	snop  }
0x90: {  	s2 =	sld [smem:$0x3FD0];
	(tm) =	ssettm $0x1  }
0x91: {  	s18 =	sld [smem:$0x3FFB];
	_ =	sdelay $0x3  }
0x92: {  	_ =	strace s18  }
0x93: {  	s3 =	sld [smem:$0x3FFC];
	_ =	sdelay $0x3  }
0x94: {  	_ =	strace s3  }
0x95: {  	s3 =	sld [smem:$0x3FFD];
	_ =	sdelay $0x3  }
0x96: {  	_ =	strace s3  }
0x97: {  	_ =	strace $0x8FFFFFFF  }
0x98: {  	s19 =	sld [smem:$0x3FDB];
	_ =	sdelay $0x1  }
0x99: {  	s4 =	simm.s32 $_scs_section_size  }
0x9a: {  	s5 =	simm.s32 $_size__tile_overlayer_lowered;
	s6 =	simm.s32 $_tile_overlayer_lowered  }
0x9b: {  	s22 =	simm.s32 $0x1BFF;
	s21 =	sshll.u32 s6, $0x1;
	s3 =	sadd.s32 s4, s19  }
0x9c: {  	s7 =	simm.s32 $0x0;
	s20 =	sshll.u32 s5, $0x1;
	s5 =	sadd.s32 s21, s3  }
0x9d: {  	[timem:s7], [sflag:s22] =	dma.local [hbm:s5], s20  }
0x9e: {  	_ =	swait.ge [sflag:s22], s20  }
0x9f: {  	s4 =	ssub.s32 $0x0, s20;
	[sflag:s22] =	ssyncset.done $0x0  }
0xa0: {  	[sflag:s22] =	ssyncadd.s32 s4;
	_ =	sdelay $0x1  }
0xa1: {  	s23 =	simm.s32 $0x1B8B  }
0xa2: {  	_ =	swait.ge [sflag:s23], $0x1  }
0xa3: {  	[sflag:s23] =	ssyncset.done $0x0  }
0xa4: {  	s25 =	simm.s32 $0x1B8E;
	s24 =	sld [smem:$0x3FFE];
	[sflag:s23] =	ssyncadd.s32 $0xFFFFFFFF  }
0xa5: {  	s26 =	simm.s32 $execute0_lowered;
	[smem:$0x3FD2] =	sst s25  }
0xa6: {  	s5 =	sshll.u32 s26, $0x1;
	_ =	strace $0x8000004C;
	[dreg:$0x1] =	wrdreg $0xFFFFFFFF  }
0xa7: {  	s28 =	simm.s32 $_size_execute0_lowered;
	s3 =	sadd.s32 s3, s5;
	[dreg:$0x0] =	wrdreg $0x0  }
0xa8: {  	s5 =	sshll.u32 s28, $0x1;
	[dreg:$0x2] =	wrdreg s3  }
0xa9: {  	[dreg:$0x3] =	wrdreg s5  }
0xaa: {  	[dreg:$0x4] =	wrdreg $0xC0  }
0xab: {  	_ =	task [dreg:s7], $0x5FFFF  }
0xac: {  	[dreg:$0x1] =	wrdreg $0xFFFFFFFF  }
0xad: {  	[dreg:$0x0] =	wrdreg $0x60  }
0xae: {  	[dreg:$0x2] =	wrdreg s2  }
0xaf: {  	[dreg:$0x3] =	wrdreg s24  }
0xb0: {  	[dreg:$0x4] =	wrdreg $0xA8000  }
0xb1: {  	[dreg:$0x5] =	wrdreg $0x9  }
0xb2: {  	_ =	task.clear_ibuf [dreg:s7], $0x6FFFF;
	_ =	strace $0x9000004C  }
0xb3: {  	s29 =	simm.s32 $0x9;
	_ =	strace $0x8000004E  }
0xb4: {  	_ =	swait.ge [sflag:s29], $0x1  }
0xb5: {  	[sflag:s29] =	ssyncadd.s32 $0xFFFFFFFF  }
0xb6: {  	_ =	strace $0x9000004E  }
0xb7: {  	_ =	sfence  }
0xb8: {  	s30 =	sld [smem:$0x0];
	_ =	sdelay $0x2  }
0xb9: {  	s31 =	sshll.u32 s1, $0xD;
	s1 =	sshrl.u32 s1, $0x2  }
0xba: {  	s3 =	sand.u32 $0x4000, s31;
	s1 =	sadd.s32 s1, s30  }
0xbb: {  	s0 =	sor.u32 s3, s0;
	s1 =	sshll.u32 s1, $0x11  }
0xbc: {  	s0 =	sor.u32 s1, s0  }
0xbd: {  	s0 =	sadd.s32 $0x8F2B, s0  }
0xbe: {  	[sflag:s0] =	ssyncadd.remote.s32 $0x1  }
0xbf: {  	_ =	sfence.sel $0xFFFF  }
0xc0: {  	[dreg:$0x0] =	wrdreg $0xFFFFFFFF;
	(pc) =	sbr.abs _section_cstart, $3  }
0xc1: {  	[dreg:$0x1] =	wrdreg $0xFFFFFFFF  }
0xc2: {  	_ =	task.clear_ibuf [dreg:s7], $0x2FFFF;
	_ =	strace $0x9FFFFFFF  }
0xc3: {  	(tm) =	ssettm $0x7FFFFFFF  }
tec
execute0_lowered:
.L_overlay_start_1:
0x0: {  	(tag) =	ssettag $0x1  }
0x1: {  	s1 =	rddreg [dreg:$0x0]  }
0x2: {  	s5 =	rddreg [dreg:$0x1]  }
0x3: {  	s3 =	rddreg [dreg:$0x2]  }
0x4: {  	s0 =	rddreg [dreg:$0x3];
	s6 =	srdreg.scid  }
0x5: {  	s4 =	simm.s32 $0x0;
	s2 =	stileid.u32;
	s14 =	simm.s32 $0x50  }
0x6: {  	s15 =	simm.s32 $0x8000;
	s16 =	simm.s32 $0x1;
	s17 =	simm.s32 $0x0  }
0x7: {  	s6 =	sand.u32 $0x1, s6;
	s8 =	sshll.u32 s2, $0xB;
	s9 =	smul.u32 $0x14000, s2  }
0x8: {  	[smem:$0x7FF] =	sst s4;
	s31 =	smul.u32 $0x50000, s2;
	s12 =	sshll.u32 s2, $0x6  }
0x9: {  	s7 =	sshll.u32 s6, $0xF;
	s30 =	smul.u32 $0x140000, s6;
	_ =	strace $0x8000004D  }
0xa: {  	s6 =	ssub.s32 $0x2, s6;
	s12 =	sor.u32 $0x1C02, s12;
	s7 =	sor.u32 s8, s7  }
0xb: {  	s10 =	sshrl.u32 s9, $0x3;
	s11 =	sshrl.u32 s6, $0x1;
	s7 =	sadd.s32 s7, s5  }
0xc: {  	s8 =	sadd.s32 s9, s30;
	s10 =	sadd.s32 s10, s5;
	s11 =	ssub.s32 s6, s11  }
0xd: {  	s9 =	sshrl.u32 s31, $0x2;
	s8 =	sshrl.u32 s8, $0x3;
	s6 =	sadd.s32 $0x5600, s7  }
0xe: {  	s13 =	sadd.s32 s9, s3;
	s9 =	smax.u32 s11, $0x1;
	s11 =	simm.s32 $0x4000  }
0xf: {  	s8 =	sadd.s32 s8, s5;
	s5 =	sadd.s32 $0x15600, s7;
	s7 =	sadd.s32 $0x25600, s10  }
0x10: {  	s10 =	simm.s32 $0x2;
	s13 =	sshrl.u32 s13, $0x3;
	s8 =	sadd.s32 $0x4D600, s8  }
.LBB2_1:
0x11: {  	[tilespmem:s4], [sflag:$0x2] =	stream.linear.gather [hbm4b:s5+s4], $0x4000, $0x38;
	[tilespmem:$0x1E800] =	vst v63  }
0x12: {  	_ =	swait.ge [sflag:s10], $0x4000  }
0x13: {  	[sflag:s10] =	ssyncset.done $0x0  }
0x14: {  	[sflag:s10] =	ssyncadd.s32 $0xFFFFC000  }
0x15: {  	[tilespmem:s11], [sflag:$0x2] =	stream.linear.gather [hbm4b:s6+s4], $0x4000, $0x38;
	[tilespmem:$0x1E800] =	vst v63  }
0x16: {  	_ =	swait.ge [sflag:s10], $0x4000  }
0x17: {  	[sflag:s10] =	ssyncset.done $0x0  }
0x18: {  	[sflag:s10] =	ssyncadd.s32 $0xFFFFC000  }
0x19: {  	[spmem:s13], [sflag:s12] =	dma.local [hbm:s7], $0x2800  }
0x1a: {  	_ =	swait.ge [sflag:s10], $0x2800  }
0x1b: {  	[sflag:s10] =	ssyncset.done $0x0  }
0x1c: {  	[sflag:s10] =	ssyncadd.s32 $0xFFFFD800  }
0x1d: {  	s18 =	simm.s32 $0x0;
	[bflag:$0x0] =	sbarrier.arrive $0xFFFF  }
0x1e: {  	[tilespmem:s15], [sflag:$0x1] =	stream.indirect.gather [hbm4b:s1+s14], $0x80, s18, s14, $0xb8;
	[tilespmem:$0x1E800] =	vst v63  }
0x1f: {  	_ =	swait.ge [sflag:s16], $0x2800  }
0x20: {  	[sflag:s16] =	ssyncset.done $0x0  }
0x21: {  	s31 =	simm.s32 $0x4000;
	[sflag:s16] =	ssyncadd.s32 $0xFFFFD800  }
0x22: {  	[spmem:s3] =	stream.indirect.scatter.add.f32 [tilespmem:s15], [sflag:$0x2], $0x80, s31, s14, $0xb8;
	[tilespmem:$0x1E800] =	vst v63  }
0x23: {  	_ =	swait.ge [sflag:s10], $0x2800  }
0x24: {  	s19 =	simm.s32 $0x400;
	s18 =	simm.s32 $0x200;
	[sflag:s10] =	ssyncset.done $0x0  }
.LBB2_2:
0x25: {  	s20 =	sshra.s32 s18, $0x2  }
0x26: {  	[sflag:s10] =	ssyncadd.s32 $0xFFFFD800;
	s18 =	smov.u32 s19;
	s21 =	sadd.s32 $0x200, s19  }
0x27: {  	[tilespmem:s15], [sflag:$0x1] =	stream.indirect.gather [hbm4b:s1+s14], $0x80, s20, s14, $0xb8;
	[tilespmem:$0x1E800] =	vst v63  }
0x28: {  	p0 =	sne.s32 s19, $0xFE00;
	_ =	swait.ge [sflag:s16], $0x2800  }
.Ltmp0:
0x29: {  	[sflag:s16] =	ssyncset.done $0x0;
	(pc) =	sbr.rel @p0 .LBB2_2-.Ltmp0, $4  }
0x2a: {  	s19 =	sadd.s32 $0x4000, s20;
	[sflag:s16] =	ssyncadd.s32 $0xFFFFD800  }
0x2b: {  	[spmem:s3] =	stream.indirect.scatter.add.f32 [tilespmem:s15], [sflag:$0x2], $0x80, s19, s14, $0xb8;
	[tilespmem:$0x1E800] =	vst v63  }
0x2c: {  	_ =	swait.ge [sflag:s10], $0x2800  }
0x2d: {  	s19 =	smov.u32 s21;
	[sflag:s10] =	ssyncset.done $0x0  }
0x2e: {  	s18 =	sshra.s32 s18, $0x2;
	[sflag:s10] =	ssyncadd.s32 $0xFFFFD800  }
0x2f: {  	[tilespmem:s15], [sflag:$0x1] =	stream.indirect.gather [hbm4b:s1+s14], $0x80, s18, s14, $0xb8;
	[tilespmem:$0x1E800] =	vst v63  }
0x30: {  	_ =	swait.ge [sflag:s16], $0x2800  }
0x31: {  	[sflag:s16] =	ssyncset.done $0x0  }
0x32: {  	s18 =	sadd.s32 $0x4000, s18;
	[sflag:s16] =	ssyncadd.s32 $0xFFFFD800  }
0x33: {  	[spmem:s3] =	stream.indirect.scatter.add.f32 [tilespmem:s15], [sflag:$0x2], $0x80, s18, s14, $0xb8;
	[tilespmem:$0x1E800] =	vst v63  }
0x34: {  	_ =	swait.ge [sflag:s10], $0x2800  }
0x35: {  	s17 =	sadd.s32 $0x1, s17;
	[sflag:s10] =	ssyncset.done $0x0  }
0x36: {  	p0 =	sne.s32 s17, s9;
	[sflag:s10] =	ssyncadd.s32 $0xFFFFD800  }
.Ltmp1:
0x37: {  	[bflag:$0x0] =	sbarrier.arrive $0xFFFF;
	(pc) =	sbr.rel @p0 .LBB2_1-.Ltmp1, $4  }
0x38: {  	[hbm:s8], [sflag:s12] =	dma.local [spmem:s13], $0x2800  }
0x39: {  	_ =	swait.ge [sflag:s10], $0x2800  }
0x3a: {  	[sflag:s10] =	ssyncset.done $0x0  }
0x3b: {  	[sflag:s10] =	ssyncadd.s32 $0xFFFFD800  }
0x3c: {  	_ =	sfence.sel $0x180000  }
0x3d: {  	[bflag:$0x0] =	sbarrier.arrive $0xFFFF  }
0x3e: {  	p0 =	sne.s32 s2, $0x0;
	_ =	strace $0x9000004D  }
0x3f: {  	s0 =	sadd.s32 @!p0 $0x100000, s0;
	[bflag:$0x2] =	sbarrier.arrive $0xFFFF  }
0x40: {  	[sflag:s0] =	ssyncadd.tile.s32 @!p0 $0x1;
	_ =	shalt  }
.Lfunc_end2:
_tile_overlayer_lowered:
.L_overlay_start_2:
0x41: {  	(tag) =	ssettag $0x2  }
0x42: {  	s0 =	rddreg [dreg:$0x0];
	s2 =	stileid.u32  }
0x43: {  	s1 =	rddreg [dreg:$0x1];
	p0 =	sne.s32 s2, $0x0  }
0x44: {  	s3 =	rddreg [dreg:$0x2];
	[bflag:$0x3] =	sbarrier.arrive $0xFFFF;
	s2 =	simm.s32 @!p0 $0x1C02  }
0x45: {  	[timem:s3], [sflag:s2] =	dma.local @!p0 [hbm:s0], s1  }
0x46: {  	s0 =	simm.s32 @!p0 $0x2  }
0x47: {  	_ =	swait.ge @!p0 [sflag:s0], s1  }
0x48: {  	s1 =	ssub.s32 @!p0 $0x0, s1;
	[sflag:s0] =	ssyncset.done @!p0 $0x0  }
0x49: {  	[sflag:s0] =	ssyncadd.s32 @!p0 s1  }
0x4a: {  	[bflag:$0x3] =	sbarrier.arrive $0xFFFF  }
0x4b: {  	_ =	shalt  }

// kernel: kernel.20.cloned.1.call-start
scs
__scs_entry_jumppad:
0x0: {  	(pc) =	sbr.rel $0x88, $3  }
0x1: {  	(tag) =	ssettag $0x0;
	lr =	simm.s32 $0x1  }
0x2: {  	[smem:$0x3F97] =	sst lr;
	_ =	strace $0xD0000000  }
0x3: {  	_ = 	snop  }
0x4: {  	_ = 	snop  }
0x5: {  	_ = 	snop  }
0x6: {  	_ = 	snop  }
0x7: {  	_ = 	snop  }
__scs_overlays_trampoline_lowered:
0x8: {  	[smem:$0x3FA6] =	sst s0  }
0x9: {  	[smem:$0x3FA7] =	sst s1  }
0xa: {  	[smem:$0x3FA8] =	sst s2  }
0xb: {  	[smem:$0x3FA9] =	sst s3  }
0xc: {  	[smem:$0x3FAA] =	sst s4  }
0xd: {  	[smem:$0x3FAB] =	sst s5  }
0xe: {  	[smem:$0x3FAC] =	sst s6  }
0xf: {  	[smem:$0x3FAD] =	sst s7  }
0x10: {  	[smem:$0x3FAE] =	sst s8  }
0x11: {  	[smem:$0x3FAF] =	sst s9;
	s0 =	simm.s32 @!p0 $0x0  }
0x12: {  	s1 =	sld [smem:$0x3F95];
	s0 =	simm.s32 @p0 $0x1  }
0x13: {  	[smem:$0x3FB0] =	sst s0;
	s0 =	simm.s32 @!p1 $0x0  }
0x14: {  	s2 =	sld [smem:$0x3F94];
	s0 =	simm.s32 @p1 $0x1  }
0x15: {  	[smem:$0x3FB1] =	sst s0;
	s0 =	simm.s32 @!p2 $0x0  }
0x16: {  	s3 =	sld [smem:$0x3FDB];
	s0 =	simm.s32 @p2 $0x1  }
0x17: {  	s4 =	simm.s32 $0x1BF5;
	[smem:$0x3FB3] =	sst s0  }
0x18: {  	s0 =	sld [smem:$0x3F96];
	_ =	swait.ge [sflag:s4], $0x0  }
0x19: {  	s7 =	sld [smem:$0x3F97]  }
0x1a: {  	s8 =	sadd.s32 $0xFFFFE003, lr  }
0x1b: {  	s9 =	sadd.s32 $0xFFFFFEF7, lr;
	s5 =	simm.s32 $0xFFFFFFFF;
	p2 =	slt.u32 s8, $0xFFFFF086  }
0x1c: {  	p1 =	slt.u32 s9, $0xF7A;
	s5 =	simm.s32 @!p2 $0x0  }
0x1d: {  	s5 =	simm.s32 @p1 $0x1;
	p0 =	seq.s32 s7, s2  }
0x1e: {  	s7 =	smul.u32 @!p0 $0xF7A, s2;
	p2 =	seq.s32 @!p0 s5, $0x0  }
0x1f: {  	s9 =	smul.u32 $0xF7A, s1;
	s8 =	simm.s32 @!p0 $0x1BF5;
	p2 =	por !p2, p0  }
0x20: {  	[sflag:s8] =	ssyncset.s32 @!p0 $0xFFFFF086;
	s6 =	sadd.s32 @!p0 s3, s7;
	s7 =	simm.s32 @!p0 $0x108  }
0x21: {  	s3 =	sadd.s32 s3, s9;
	s6 =	sadd.s32 @!p0 $0x88, s6;
	s7 =	simm.s32 @p2 $0x1082  }
0x22: {  	[simem:s7], [sflag:s8] =	dma.local @!p0 [hbm:s6], $0xF7A  }
0x23: {  	s9 =	sor.u32 $0xD0000000, s2;
	s6 =	simm.s32 $0x108;
	_ =	swait.ge @!p0 [sflag:s8], $0x0  }
0x24: {  	s3 =	sadd.s32 $0x88, s3;
	s6 =	simm.s32 @!p1 $0x1082;
	[sflag:s4] =	ssyncset.s32 $0xFFFFF086  }
0x25: {  	[simem:s6], [sflag:s4] =	dma.local [hbm:s3], $0xF7A  }
0x26: {  	[smem:$0x3F97] =	sst s1;
	(tag) =	ssettag s2;
	_ =	strace s9  }
0x27: {  	s1 =	sld [smem:$0x3FA7]  }
0x28: {  	s2 =	sld [smem:$0x3FA8]  }
0x29: {  	s4 =	sld [smem:$0x3FAA]  }
0x2a: {  	p0 =	seq.s32 s5, $0x0;
	s5 =	sld [smem:$0x3FAB]  }
0x2b: {  	s6 =	sld [smem:$0x3FAC]  }
0x2c: {  	s7 =	sld [smem:$0x3FAD]  }
0x2d: {  	s3 =	simm.s32 $0x108;
	s8 =	sld [smem:$0x3FAE]  }
0x2e: {  	s3 =	simm.s32 @!p0 $0x1082;
	s9 =	sld [smem:$0x3FAF]  }
0x2f: {  	lr =	sadd.s32 s0, s3;
	s0 =	sld [smem:$0x3FA6]  }
0x30: {  	s3 =	sld [smem:$0x3FA9]  }
0x31: {  	[smem:$0x3FB2] =	sst s10  }
0x32: {  	s10 =	sld [smem:$0x3FB0];
	_ =	sdelay $0x3  }
0x33: {  	p0 =	seq.s32 s10, $0x1;
	s10 =	sld [smem:$0x3FB2];
	_ =	sdelay $0x3  }
0x34: {  	[smem:$0x3FB2] =	sst s10  }
0x35: {  	s10 =	sld [smem:$0x3FB1];
	_ =	sdelay $0x3  }
0x36: {  	p1 =	seq.s32 s10, $0x1;
	s10 =	sld [smem:$0x3FB2];
	_ =	sdelay $0x3  }
0x37: {  	[smem:$0x3FB2] =	sst s10  }
0x38: {  	s10 =	sld [smem:$0x3FB3]  }
0x39: {  	_ = 	snop;
	(pc) =	sbr.ind lr, $3  }
0x3a: {  	_ = 	snop  }
0x3b: {  	_ = 	snop  }
0x3c: {  	p2 =	seq.s32 s10, $0x1;
	s10 =	sld [smem:$0x3FB2]  }
0x3d: {  	_ =	shalt  }
0x3e: {  	_ =	shalt  }
0x3f: {  	_ =	shalt  }
0x40: {  	_ =	shalt  }
0x41: {  	_ =	shalt  }
0x42: {  	_ =	shalt  }
0x43: {  	_ =	shalt  }
0x44: {  	_ =	shalt  }
0x45: {  	_ =	shalt  }
0x46: {  	_ =	shalt  }
0x47: {  	_ =	shalt  }
0x48: {  	_ =	shalt  }
0x49: {  	_ =	shalt  }
0x4a: {  	_ =	shalt  }
0x4b: {  	_ =	shalt  }
0x4c: {  	_ =	shalt  }
0x4d: {  	_ =	shalt  }
0x4e: {  	_ =	shalt  }
0x4f: {  	_ =	shalt  }
0x50: {  	_ =	shalt  }
0x51: {  	_ =	shalt  }
0x52: {  	_ =	shalt  }
0x53: {  	_ =	shalt  }
0x54: {  	_ =	shalt  }
0x55: {  	_ =	shalt  }
0x56: {  	_ =	shalt  }
0x57: {  	_ =	shalt  }
0x58: {  	_ =	shalt  }
0x59: {  	_ =	shalt  }
0x5a: {  	_ =	shalt  }
0x5b: {  	_ =	shalt  }
0x5c: {  	_ =	shalt  }
0x5d: {  	_ =	shalt  }
0x5e: {  	_ =	shalt  }
0x5f: {  	_ =	shalt  }
0x60: {  	_ =	shalt  }
0x61: {  	_ =	shalt  }
0x62: {  	_ =	shalt  }
0x63: {  	_ =	shalt  }
0x64: {  	_ =	shalt  }
0x65: {  	_ =	shalt  }
0x66: {  	_ =	shalt  }
0x67: {  	_ =	shalt  }
0x68: {  	_ =	shalt  }
0x69: {  	_ =	shalt  }
0x6a: {  	_ =	shalt  }
0x6b: {  	_ =	shalt  }
0x6c: {  	_ =	shalt  }
0x6d: {  	_ =	shalt  }
0x6e: {  	_ =	shalt  }
0x6f: {  	_ =	shalt  }
0x70: {  	_ =	shalt  }
0x71: {  	_ =	shalt  }
0x72: {  	_ =	shalt  }
0x73: {  	_ =	shalt  }
0x74: {  	_ =	shalt  }
0x75: {  	_ =	shalt  }
0x76: {  	_ =	shalt  }
0x77: {  	_ =	shalt  }
0x78: {  	_ =	shalt  }
0x79: {  	_ =	shalt  }
0x7a: {  	_ =	shalt  }
0x7b: {  	_ =	shalt  }
0x7c: {  	_ =	shalt  }
0x7d: {  	_ =	shalt  }
0x7e: {  	_ =	shalt  }
0x7f: {  	_ =	shalt  }
0x80: {  	_ =	shalt  }
0x81: {  	_ =	shalt  }
0x82: {  	_ =	shalt  }
0x83: {  	_ =	shalt  }
0x84: {  	_ =	shalt  }
0x85: {  	_ =	shalt  }
0x86: {  	_ =	shalt  }
0x87: {  	_ =	shalt  }
.Lfunc_end0:
.L_simem_size_0:
called_computation.3_lowered:
.L_overlay_start_0:
0x88: {  	s2 =	sld [smem:$0x3FD9]  }
0x89: {  	s3 =	sld [smem:$0x3FFE];
	_ =	sdelay $0x1  }
0x8a: {  	s1 =	srdreg.scid  }
0x8b: {  	s0 =	sand.u32 $0x1, s1  }
0x8c: {  	s17 =	sshll.u32 s0, $0xA;
	s2 =	sadd.s32 s3, s2  }
0x8d: {  	s2 =	sadd.s32 s2, s17  }
0x8e: {  	[smem:$0x3FBE] =	sst s2  }
0x8f: {  	_ = 	snop  }
0x90: {  	s2 =	sld [smem:$0x3FD0];
	(tm) =	ssettm $0x1  }
0x91: {  	s18 =	sld [smem:$0x3FFB];
	_ =	sdelay $0x3  }
0x92: {  	_ =	strace s18  }
0x93: {  	s3 =	sld [smem:$0x3FFC];
	_ =	sdelay $0x3  }
0x94: {  	_ =	strace s3  }
0x95: {  	s3 =	sld [smem:$0x3FFD];
	_ =	sdelay $0x3  }
0x96: {  	_ =	strace s3  }
0x97: {  	_ =	strace $0x8FFFFFFF  }
0x98: {  	s19 =	sld [smem:$0x3FDB];
	_ =	sdelay $0x1  }
0x99: {  	s4 =	simm.s32 $_scs_section_size  }
0x9a: {  	s5 =	simm.s32 $_size__tile_overlayer_lowered;
	s6 =	simm.s32 $_tile_overlayer_lowered  }
0x9b: {  	s22 =	simm.s32 $0x1BFF;
	s21 =	sshll.u32 s6, $0x1;
	s3 =	sadd.s32 s4, s19  }
0x9c: {  	s7 =	simm.s32 $0x0;
	s20 =	sshll.u32 s5, $0x1;
	s5 =	sadd.s32 s21, s3  }
0x9d: {  	[timem:s7], [sflag:s22] =	dma.local [hbm:s5], s20  }
0x9e: {  	_ =	swait.ge [sflag:s22], s20  }
0x9f: {  	s4 =	ssub.s32 $0x0, s20;
	[sflag:s22] =	ssyncset.done $0x0  }
0xa0: {  	[sflag:s22] =	ssyncadd.s32 s4;
	_ =	sdelay $0x1  }
0xa1: {  	s23 =	simm.s32 $0x1B8B  }
0xa2: {  	_ =	swait.ge [sflag:s23], $0x1  }
0xa3: {  	[sflag:s23] =	ssyncset.done $0x0  }
0xa4: {  	s25 =	simm.s32 $0x1B8E;
	s24 =	sld [smem:$0x3FFE];
	[sflag:s23] =	ssyncadd.s32 $0xFFFFFFFF  }
0xa5: {  	s26 =	simm.s32 $execute0_lowered;
	[smem:$0x3FD2] =	sst s25  }
0xa6: {  	s5 =	sshll.u32 s26, $0x1;
	_ =	strace $0x8000004F;
	[dreg:$0x1] =	wrdreg $0xFFFFFFFF  }
0xa7: {  	s28 =	simm.s32 $_size_execute0_lowered;
	s3 =	sadd.s32 s3, s5;
	[dreg:$0x0] =	wrdreg $0x0  }
0xa8: {  	s5 =	sshll.u32 s28, $0x1;
	[dreg:$0x2] =	wrdreg s3  }
0xa9: {  	[dreg:$0x3] =	wrdreg s5  }
0xaa: {  	[dreg:$0x4] =	wrdreg $0xC0  }
0xab: {  	_ =	task [dreg:s7], $0x5FFFF  }
0xac: {  	[dreg:$0x1] =	wrdreg $0xFFFFFFFF  }
0xad: {  	[dreg:$0x0] =	wrdreg $0x60  }
0xae: {  	[dreg:$0x2] =	wrdreg s2  }
0xaf: {  	[dreg:$0x3] =	wrdreg s24  }
0xb0: {  	[dreg:$0x4] =	wrdreg $0xA8000  }
0xb1: {  	[dreg:$0x5] =	wrdreg $0x9  }
0xb2: {  	_ =	task.clear_ibuf [dreg:s7], $0x6FFFF;
	_ =	strace $0x9000004F  }
0xb3: {  	s29 =	simm.s32 $0x9;
	_ =	strace $0x80000051  }
0xb4: {  	_ =	swait.ge [sflag:s29], $0x1  }
0xb5: {  	[sflag:s29] =	ssyncadd.s32 $0xFFFFFFFF  }
0xb6: {  	_ =	strace $0x90000051  }
0xb7: {  	_ =	sfence  }
0xb8: {  	s30 =	sld [smem:$0x0];
	_ =	sdelay $0x2  }
0xb9: {  	s31 =	sshll.u32 s1, $0xD;
	s1 =	sshrl.u32 s1, $0x2  }
0xba: {  	s3 =	sand.u32 $0x4000, s31;
	s1 =	sadd.s32 s1, s30  }
0xbb: {  	s0 =	sor.u32 s3, s0;
	s1 =	sshll.u32 s1, $0x11  }
0xbc: {  	s0 =	sor.u32 s1, s0  }
0xbd: {  	s0 =	sadd.s32 $0x8F2B, s0  }
0xbe: {  	[sflag:s0] =	ssyncadd.remote.s32 $0x1  }
0xbf: {  	_ =	sfence.sel $0xFFFF  }
0xc0: {  	[dreg:$0x0] =	wrdreg $0xFFFFFFFF;
	(pc) =	sbr.abs _section_cstart, $3  }
0xc1: {  	[dreg:$0x1] =	wrdreg $0xFFFFFFFF  }
0xc2: {  	_ =	task.clear_ibuf [dreg:s7], $0x2FFFF;
	_ =	strace $0x9FFFFFFF  }
0xc3: {  	(tm) =	ssettm $0x7FFFFFFF  }
tec
execute0_lowered:
.L_overlay_start_1:
0x0: {  	(tag) =	ssettag $0x1  }
0x1: {  	s1 =	rddreg [dreg:$0x0]  }
0x2: {  	s5 =	rddreg [dreg:$0x1]  }
0x3: {  	s3 =	rddreg [dreg:$0x2]  }
0x4: {  	s0 =	rddreg [dreg:$0x3];
	s6 =	srdreg.scid  }
0x5: {  	s4 =	simm.s32 $0x0;
	s2 =	stileid.u32;
	s14 =	simm.s32 $0x50  }
0x6: {  	s15 =	simm.s32 $0x8000;
	s16 =	simm.s32 $0x1;
	s17 =	simm.s32 $0x0  }
0x7: {  	s6 =	sand.u32 $0x1, s6;
	s8 =	sshll.u32 s2, $0xB;
	s9 =	smul.u32 $0x14000, s2  }
0x8: {  	[smem:$0x7FF] =	sst s4;
	s31 =	smul.u32 $0x50000, s2;
	s12 =	sshll.u32 s2, $0x6  }
0x9: {  	s7 =	sshll.u32 s6, $0xF;
	s30 =	smul.u32 $0x140000, s6;
	_ =	strace $0x80000050  }
0xa: {  	s6 =	ssub.s32 $0x2, s6;
	s12 =	sor.u32 $0x1C02, s12;
	s7 =	sor.u32 s8, s7  }
0xb: {  	s10 =	sshrl.u32 s9, $0x3;
	s11 =	sshrl.u32 s6, $0x1;
	s7 =	sadd.s32 s7, s5  }
0xc: {  	s8 =	sadd.s32 s9, s30;
	s10 =	sadd.s32 s10, s5;
	s11 =	ssub.s32 s6, s11  }
0xd: {  	s9 =	sshrl.u32 s31, $0x2;
	s8 =	sshrl.u32 s8, $0x3;
	s6 =	sadd.s32 $0x5600, s7  }
0xe: {  	s13 =	sadd.s32 s9, s3;
	s9 =	smax.u32 s11, $0x1;
	s11 =	simm.s32 $0x4000  }
0xf: {  	s8 =	sadd.s32 s8, s5;
	s5 =	sadd.s32 $0x15600, s7;
	s7 =	sadd.s32 $0x25600, s10  }
0x10: {  	s10 =	simm.s32 $0x2;
	s13 =	sshrl.u32 s13, $0x3;
	s8 =	sadd.s32 $0x4D600, s8  }
.LBB2_1:
0x11: {  	[tilespmem:s4], [sflag:$0x2] =	stream.linear.gather [hbm4b:s5+s4], $0x4000, $0x38;
	[tilespmem:$0x1E800] =	vst v63  }
0x12: {  	_ =	swait.ge [sflag:s10], $0x4000  }
0x13: {  	[sflag:s10] =	ssyncset.done $0x0  }
0x14: {  	[sflag:s10] =	ssyncadd.s32 $0xFFFFC000  }
0x15: {  	[tilespmem:s11], [sflag:$0x2] =	stream.linear.gather [hbm4b:s6+s4], $0x4000, $0x38;
	[tilespmem:$0x1E800] =	vst v63  }
0x16: {  	_ =	swait.ge [sflag:s10], $0x4000  }
0x17: {  	[sflag:s10] =	ssyncset.done $0x0  }
0x18: {  	[sflag:s10] =	ssyncadd.s32 $0xFFFFC000  }
0x19: {  	[spmem:s13], [sflag:s12] =	dma.local [hbm:s7], $0x2800  }
0x1a: {  	_ =	swait.ge [sflag:s10], $0x2800  }
0x1b: {  	[sflag:s10] =	ssyncset.done $0x0  }
0x1c: {  	[sflag:s10] =	ssyncadd.s32 $0xFFFFD800  }
0x1d: {  	s18 =	simm.s32 $0x0;
	[bflag:$0x0] =	sbarrier.arrive $0xFFFF  }
0x1e: {  	[tilespmem:s15], [sflag:$0x1] =	stream.indirect.gather [hbm4b:s1+s14], $0x80, s18, s14, $0xb8;
	[tilespmem:$0x1E800] =	vst v63  }
0x1f: {  	_ =	swait.ge [sflag:s16], $0x2800  }
0x20: {  	[sflag:s16] =	ssyncset.done $0x0  }
0x21: {  	s31 =	simm.s32 $0x4000;
	[sflag:s16] =	ssyncadd.s32 $0xFFFFD800  }
0x22: {  	[spmem:s3] =	stream.indirect.scatter.add.f32 [tilespmem:s15], [sflag:$0x2], $0x80, s31, s14, $0xb8;
	[tilespmem:$0x1E800] =	vst v63  }
0x23: {  	_ =	swait.ge [sflag:s10], $0x2800  }
0x24: {  	s19 =	simm.s32 $0x400;
	s18 =	simm.s32 $0x200;
	[sflag:s10] =	ssyncset.done $0x0  }
.LBB2_2:
0x25: {  	s20 =	sshra.s32 s18, $0x2  }
0x26: {  	[sflag:s10] =	ssyncadd.s32 $0xFFFFD800;
	s18 =	smov.u32 s19;
	s21 =	sadd.s32 $0x200, s19  }
0x27: {  	[tilespmem:s15], [sflag:$0x1] =	stream.indirect.gather [hbm4b:s1+s14], $0x80, s20, s14, $0xb8;
	[tilespmem:$0x1E800] =	vst v63  }
0x28: {  	p0 =	sne.s32 s19, $0xFE00;
	_ =	swait.ge [sflag:s16], $0x2800  }
.Ltmp0:
0x29: {  	[sflag:s16] =	ssyncset.done $0x0;
	(pc) =	sbr.rel @p0 .LBB2_2-.Ltmp0, $4  }
0x2a: {  	s19 =	sadd.s32 $0x4000, s20;
	[sflag:s16] =	ssyncadd.s32 $0xFFFFD800  }
0x2b: {  	[spmem:s3] =	stream.indirect.scatter.add.f32 [tilespmem:s15], [sflag:$0x2], $0x80, s19, s14, $0xb8;
	[tilespmem:$0x1E800] =	vst v63  }
0x2c: {  	_ =	swait.ge [sflag:s10], $0x2800  }
0x2d: {  	s19 =	smov.u32 s21;
	[sflag:s10] =	ssyncset.done $0x0  }
0x2e: {  	s18 =	sshra.s32 s18, $0x2;
	[sflag:s10] =	ssyncadd.s32 $0xFFFFD800  }
0x2f: {  	[tilespmem:s15], [sflag:$0x1] =	stream.indirect.gather [hbm4b:s1+s14], $0x80, s18, s14, $0xb8;
	[tilespmem:$0x1E800] =	vst v63  }
0x30: {  	_ =	swait.ge [sflag:s16], $0x2800  }
0x31: {  	[sflag:s16] =	ssyncset.done $0x0  }
0x32: {  	s18 =	sadd.s32 $0x4000, s18;
	[sflag:s16] =	ssyncadd.s32 $0xFFFFD800  }
0x33: {  	[spmem:s3] =	stream.indirect.scatter.add.f32 [tilespmem:s15], [sflag:$0x2], $0x80, s18, s14, $0xb8;
	[tilespmem:$0x1E800] =	vst v63  }
0x34: {  	_ =	swait.ge [sflag:s10], $0x2800  }
0x35: {  	s17 =	sadd.s32 $0x1, s17;
	[sflag:s10] =	ssyncset.done $0x0  }
0x36: {  	p0 =	sne.s32 s17, s9;
	[sflag:s10] =	ssyncadd.s32 $0xFFFFD800  }
.Ltmp1:
0x37: {  	[bflag:$0x0] =	sbarrier.arrive $0xFFFF;
	(pc) =	sbr.rel @p0 .LBB2_1-.Ltmp1, $4  }
0x38: {  	[hbm:s8], [sflag:s12] =	dma.local [spmem:s13], $0x2800  }
0x39: {  	_ =	swait.ge [sflag:s10], $0x2800  }
0x3a: {  	[sflag:s10] =	ssyncset.done $0x0  }
0x3b: {  	[sflag:s10] =	ssyncadd.s32 $0xFFFFD800  }
0x3c: {  	_ =	sfence.sel $0x180000  }
0x3d: {  	[bflag:$0x0] =	sbarrier.arrive $0xFFFF  }
0x3e: {  	p0 =	sne.s32 s2, $0x0;
	_ =	strace $0x90000050  }
0x3f: {  	s0 =	sadd.s32 @!p0 $0x100000, s0;
	[bflag:$0x2] =	sbarrier.arrive $0xFFFF  }
0x40: {  	[sflag:s0] =	ssyncadd.tile.s32 @!p0 $0x1;
	_ =	shalt  }
.Lfunc_end2:
_tile_overlayer_lowered:
.L_overlay_start_2:
0x41: {  	(tag) =	ssettag $0x2  }
0x42: {  	s0 =	rddreg [dreg:$0x0];
	s2 =	stileid.u32  }
0x43: {  	s1 =	rddreg [dreg:$0x1];
	p0 =	sne.s32 s2, $0x0  }
0x44: {  	s3 =	rddreg [dreg:$0x2];
	[bflag:$0x3] =	sbarrier.arrive $0xFFFF;
	s2 =	simm.s32 @!p0 $0x1C02  }
0x45: {  	[timem:s3], [sflag:s2] =	dma.local @!p0 [hbm:s0], s1  }
0x46: {  	s0 =	simm.s32 @!p0 $0x2  }
0x47: {  	_ =	swait.ge @!p0 [sflag:s0], s1  }
0x48: {  	s1 =	ssub.s32 @!p0 $0x0, s1;
	[sflag:s0] =	ssyncset.done @!p0 $0x0  }
0x49: {  	[sflag:s0] =	ssyncadd.s32 @!p0 s1  }
0x4a: {  	[bflag:$0x3] =	sbarrier.arrive $0xFFFF  }
0x4b: {  	_ =	shalt  }

// kernel: kernel.23.cloned.1.call-start
scs
__scs_entry_jumppad:
0x0: {  	(pc) =	sbr.rel $0x88, $3  }
0x1: {  	(tag) =	ssettag $0x0;
	lr =	simm.s32 $0x1  }
0x2: {  	[smem:$0x3F97] =	sst lr;
	_ =	strace $0xD0000000  }
0x3: {  	_ = 	snop  }
0x4: {  	_ = 	snop  }
0x5: {  	_ = 	snop  }
0x6: {  	_ = 	snop  }
0x7: {  	_ = 	snop  }
__scs_overlays_trampoline_lowered:
0x8: {  	[smem:$0x3FA6] =	sst s0  }
0x9: {  	[smem:$0x3FA7] =	sst s1  }
0xa: {  	[smem:$0x3FA8] =	sst s2  }
0xb: {  	[smem:$0x3FA9] =	sst s3  }
0xc: {  	[smem:$0x3FAA] =	sst s4  }
0xd: {  	[smem:$0x3FAB] =	sst s5  }
0xe: {  	[smem:$0x3FAC] =	sst s6  }
0xf: {  	[smem:$0x3FAD] =	sst s7  }
0x10: {  	[smem:$0x3FAE] =	sst s8  }
0x11: {  	[smem:$0x3FAF] =	sst s9;
	s0 =	simm.s32 @!p0 $0x0  }
0x12: {  	s1 =	sld [smem:$0x3F95];
	s0 =	simm.s32 @p0 $0x1  }
0x13: {  	[smem:$0x3FB0] =	sst s0;
	s0 =	simm.s32 @!p1 $0x0  }
0x14: {  	s2 =	sld [smem:$0x3F94];
	s0 =	simm.s32 @p1 $0x1  }
0x15: {  	[smem:$0x3FB1] =	sst s0;
	s0 =	simm.s32 @!p2 $0x0  }
0x16: {  	s3 =	sld [smem:$0x3FDB];
	s0 =	simm.s32 @p2 $0x1  }
0x17: {  	s4 =	simm.s32 $0x1BF5;
	[smem:$0x3FB3] =	sst s0  }
0x18: {  	s0 =	sld [smem:$0x3F96];
	_ =	swait.ge [sflag:s4], $0x0  }
0x19: {  	s7 =	sld [smem:$0x3F97]  }
0x1a: {  	s8 =	sadd.s32 $0xFFFFE003, lr  }
0x1b: {  	s9 =	sadd.s32 $0xFFFFFEF7, lr;
	s5 =	simm.s32 $0xFFFFFFFF;
	p2 =	slt.u32 s8, $0xFFFFF086  }
0x1c: {  	p1 =	slt.u32 s9, $0xF7A;
	s5 =	simm.s32 @!p2 $0x0  }
0x1d: {  	s5 =	simm.s32 @p1 $0x1;
	p0 =	seq.s32 s7, s2  }
0x1e: {  	s7 =	smul.u32 @!p0 $0xF7A, s2;
	p2 =	seq.s32 @!p0 s5, $0x0  }
0x1f: {  	s9 =	smul.u32 $0xF7A, s1;
	s8 =	simm.s32 @!p0 $0x1BF5;
	p2 =	por !p2, p0  }
0x20: {  	[sflag:s8] =	ssyncset.s32 @!p0 $0xFFFFF086;
	s6 =	sadd.s32 @!p0 s3, s7;
	s7 =	simm.s32 @!p0 $0x108  }
0x21: {  	s3 =	sadd.s32 s3, s9;
	s6 =	sadd.s32 @!p0 $0x88, s6;
	s7 =	simm.s32 @p2 $0x1082  }
0x22: {  	[simem:s7], [sflag:s8] =	dma.local @!p0 [hbm:s6], $0xF7A  }
0x23: {  	s9 =	sor.u32 $0xD0000000, s2;
	s6 =	simm.s32 $0x108;
	_ =	swait.ge @!p0 [sflag:s8], $0x0  }
0x24: {  	s3 =	sadd.s32 $0x88, s3;
	s6 =	simm.s32 @!p1 $0x1082;
	[sflag:s4] =	ssyncset.s32 $0xFFFFF086  }
0x25: {  	[simem:s6], [sflag:s4] =	dma.local [hbm:s3], $0xF7A  }
0x26: {  	[smem:$0x3F97] =	sst s1;
	(tag) =	ssettag s2;
	_ =	strace s9  }
0x27: {  	s1 =	sld [smem:$0x3FA7]  }
0x28: {  	s2 =	sld [smem:$0x3FA8]  }
0x29: {  	s4 =	sld [smem:$0x3FAA]  }
0x2a: {  	p0 =	seq.s32 s5, $0x0;
	s5 =	sld [smem:$0x3FAB]  }
0x2b: {  	s6 =	sld [smem:$0x3FAC]  }
0x2c: {  	s7 =	sld [smem:$0x3FAD]  }
0x2d: {  	s3 =	simm.s32 $0x108;
	s8 =	sld [smem:$0x3FAE]  }
0x2e: {  	s3 =	simm.s32 @!p0 $0x1082;
	s9 =	sld [smem:$0x3FAF]  }
0x2f: {  	lr =	sadd.s32 s0, s3;
	s0 =	sld [smem:$0x3FA6]  }
0x30: {  	s3 =	sld [smem:$0x3FA9]  }
0x31: {  	[smem:$0x3FB2] =	sst s10  }
0x32: {  	s10 =	sld [smem:$0x3FB0];
	_ =	sdelay $0x3  }
0x33: {  	p0 =	seq.s32 s10, $0x1;
	s10 =	sld [smem:$0x3FB2];
	_ =	sdelay $0x3  }
0x34: {  	[smem:$0x3FB2] =	sst s10  }
0x35: {  	s10 =	sld [smem:$0x3FB1];
	_ =	sdelay $0x3  }
0x36: {  	p1 =	seq.s32 s10, $0x1;
	s10 =	sld [smem:$0x3FB2];
	_ =	sdelay $0x3  }
0x37: {  	[smem:$0x3FB2] =	sst s10  }
0x38: {  	s10 =	sld [smem:$0x3FB3]  }
0x39: {  	_ = 	snop;
	(pc) =	sbr.ind lr, $3  }
0x3a: {  	_ = 	snop  }
0x3b: {  	_ = 	snop  }
0x3c: {  	p2 =	seq.s32 s10, $0x1;
	s10 =	sld [smem:$0x3FB2]  }
0x3d: {  	_ =	shalt  }
0x3e: {  	_ =	shalt  }
0x3f: {  	_ =	shalt  }
0x40: {  	_ =	shalt  }
0x41: {  	_ =	shalt  }
0x42: {  	_ =	shalt  }
0x43: {  	_ =	shalt  }
0x44: {  	_ =	shalt  }
0x45: {  	_ =	shalt  }
0x46: {  	_ =	shalt  }
0x47: {  	_ =	shalt  }
0x48: {  	_ =	shalt  }
0x49: {  	_ =	shalt  }
0x4a: {  	_ =	shalt  }
0x4b: {  	_ =	shalt  }
0x4c: {  	_ =	shalt  }
0x4d: {  	_ =	shalt  }
0x4e: {  	_ =	shalt  }
0x4f: {  	_ =	shalt  }
0x50: {  	_ =	shalt  }
0x51: {  	_ =	shalt  }
0x52: {  	_ =	shalt  }
0x53: {  	_ =	shalt  }
0x54: {  	_ =	shalt  }
0x55: {  	_ =	shalt  }
0x56: {  	_ =	shalt  }
0x57: {  	_ =	shalt  }
0x58: {  	_ =	shalt  }
0x59: {  	_ =	shalt  }
0x5a: {  	_ =	shalt  }
0x5b: {  	_ =	shalt  }
0x5c: {  	_ =	shalt  }
0x5d: {  	_ =	shalt  }
0x5e: {  	_ =	shalt  }
0x5f: {  	_ =	shalt  }
0x60: {  	_ =	shalt  }
0x61: {  	_ =	shalt  }
0x62: {  	_ =	shalt  }
0x63: {  	_ =	shalt  }
0x64: {  	_ =	shalt  }
0x65: {  	_ =	shalt  }
0x66: {  	_ =	shalt  }
0x67: {  	_ =	shalt  }
0x68: {  	_ =	shalt  }
0x69: {  	_ =	shalt  }
0x6a: {  	_ =	shalt  }
0x6b: {  	_ =	shalt  }
0x6c: {  	_ =	shalt  }
0x6d: {  	_ =	shalt  }
0x6e: {  	_ =	shalt  }
0x6f: {  	_ =	shalt  }
0x70: {  	_ =	shalt  }
0x71: {  	_ =	shalt  }
0x72: {  	_ =	shalt  }
0x73: {  	_ =	shalt  }
0x74: {  	_ =	shalt  }
0x75: {  	_ =	shalt  }
0x76: {  	_ =	shalt  }
0x77: {  	_ =	shalt  }
0x78: {  	_ =	shalt  }
0x79: {  	_ =	shalt  }
0x7a: {  	_ =	shalt  }
0x7b: {  	_ =	shalt  }
0x7c: {  	_ =	shalt  }
0x7d: {  	_ =	shalt  }
0x7e: {  	_ =	shalt  }
0x7f: {  	_ =	shalt  }
0x80: {  	_ =	shalt  }
0x81: {  	_ =	shalt  }
0x82: {  	_ =	shalt  }
0x83: {  	_ =	shalt  }
0x84: {  	_ =	shalt  }
0x85: {  	_ =	shalt  }
0x86: {  	_ =	shalt  }
0x87: {  	_ =	shalt  }
.Lfunc_end0:
.L_simem_size_0:
called_computation.4_lowered:
.L_overlay_start_0:
0x88: {  	s2 =	sld [smem:$0x3FD9]  }
0x89: {  	s3 =	sld [smem:$0x3FFE];
	_ =	sdelay $0x1  }
0x8a: {  	s1 =	srdreg.scid  }
0x8b: {  	s0 =	sand.u32 $0x1, s1  }
0x8c: {  	s17 =	sshll.u32 s0, $0xA;
	s2 =	sadd.s32 s3, s2  }
0x8d: {  	s2 =	sadd.s32 s2, s17  }
0x8e: {  	[smem:$0x3FBE] =	sst s2  }
0x8f: {  	_ = 	snop  }
0x90: {  	s2 =	sld [smem:$0x3FD0];
	(tm) =	ssettm $0x1  }
0x91: {  	s18 =	sld [smem:$0x3FFB];
	_ =	sdelay $0x3  }
0x92: {  	_ =	strace s18  }
0x93: {  	s3 =	sld [smem:$0x3FFC];
	_ =	sdelay $0x3  }
0x94: {  	_ =	strace s3  }
0x95: {  	s3 =	sld [smem:$0x3FFD];
	_ =	sdelay $0x3  }
0x96: {  	_ =	strace s3  }
0x97: {  	_ =	strace $0x8FFFFFFF  }
0x98: {  	s19 =	sld [smem:$0x3FDB];
	_ =	sdelay $0x1  }
0x99: {  	s4 =	simm.s32 $_scs_section_size  }
0x9a: {  	s5 =	simm.s32 $_size__tile_overlayer_lowered;
	s6 =	simm.s32 $_tile_overlayer_lowered  }
0x9b: {  	s22 =	simm.s32 $0x1BFF;
	s21 =	sshll.u32 s6, $0x1;
	s3 =	sadd.s32 s4, s19  }
0x9c: {  	s7 =	simm.s32 $0x0;
	s20 =	sshll.u32 s5, $0x1;
	s5 =	sadd.s32 s21, s3  }
0x9d: {  	[timem:s7], [sflag:s22] =	dma.local [hbm:s5], s20  }
0x9e: {  	_ =	swait.ge [sflag:s22], s20  }
0x9f: {  	s4 =	ssub.s32 $0x0, s20;
	[sflag:s22] =	ssyncset.done $0x0  }
0xa0: {  	[sflag:s22] =	ssyncadd.s32 s4;
	_ =	sdelay $0x1  }
0xa1: {  	s23 =	simm.s32 $0x1B8B  }
0xa2: {  	_ =	swait.ge [sflag:s23], $0x1  }
0xa3: {  	[sflag:s23] =	ssyncset.done $0x0  }
0xa4: {  	s25 =	simm.s32 $0x1B8E;
	s24 =	sld [smem:$0x3FFE];
	[sflag:s23] =	ssyncadd.s32 $0xFFFFFFFF  }
0xa5: {  	s26 =	simm.s32 $execute0_lowered;
	[smem:$0x3FD2] =	sst s25  }
0xa6: {  	s5 =	sshll.u32 s26, $0x1;
	_ =	strace $0x80000052;
	[dreg:$0x1] =	wrdreg $0xFFFFFFFF  }
0xa7: {  	s28 =	simm.s32 $_size_execute0_lowered;
	s3 =	sadd.s32 s3, s5;
	[dreg:$0x0] =	wrdreg $0x0  }
0xa8: {  	s5 =	sshll.u32 s28, $0x1;
	[dreg:$0x2] =	wrdreg s3  }
0xa9: {  	[dreg:$0x3] =	wrdreg s5  }
0xaa: {  	[dreg:$0x4] =	wrdreg $0xC0  }
0xab: {  	_ =	task [dreg:s7], $0x5FFFF  }
0xac: {  	[dreg:$0x1] =	wrdreg $0xFFFFFFFF  }
0xad: {  	[dreg:$0x0] =	wrdreg $0x60  }
0xae: {  	[dreg:$0x2] =	wrdreg s2  }
0xaf: {  	[dreg:$0x3] =	wrdreg s24  }
0xb0: {  	[dreg:$0x4] =	wrdreg $0xA8000  }
0xb1: {  	[dreg:$0x5] =	wrdreg $0x9  }
0xb2: {  	_ =	task.clear_ibuf [dreg:s7], $0x6FFFF;
	_ =	strace $0x90000052  }
0xb3: {  	s29 =	simm.s32 $0x9;
	_ =	strace $0x80000054  }
0xb4: {  	_ =	swait.ge [sflag:s29], $0x1  }
0xb5: {  	[sflag:s29] =	ssyncadd.s32 $0xFFFFFFFF  }
0xb6: {  	_ =	strace $0x90000054  }
0xb7: {  	_ =	sfence  }
0xb8: {  	s30 =	sld [smem:$0x0];
	_ =	sdelay $0x2  }
0xb9: {  	s31 =	sshll.u32 s1, $0xD;
	s1 =	sshrl.u32 s1, $0x2  }
0xba: {  	s3 =	sand.u32 $0x4000, s31;
	s1 =	sadd.s32 s1, s30  }
0xbb: {  	s0 =	sor.u32 s3, s0;
	s1 =	sshll.u32 s1, $0x11  }
0xbc: {  	s0 =	sor.u32 s1, s0  }
0xbd: {  	s0 =	sadd.s32 $0x8F2B, s0  }
0xbe: {  	[sflag:s0] =	ssyncadd.remote.s32 $0x1  }
0xbf: {  	_ =	sfence.sel $0xFFFF  }
0xc0: {  	[dreg:$0x0] =	wrdreg $0xFFFFFFFF;
	(pc) =	sbr.abs _section_cstart, $3  }
0xc1: {  	[dreg:$0x1] =	wrdreg $0xFFFFFFFF  }
0xc2: {  	_ =	task.clear_ibuf [dreg:s7], $0x2FFFF;
	_ =	strace $0x9FFFFFFF  }
0xc3: {  	(tm) =	ssettm $0x7FFFFFFF  }
tec
execute0_lowered:
.L_overlay_start_1:
0x0: {  	(tag) =	ssettag $0x1  }
0x1: {  	s1 =	rddreg [dreg:$0x0]  }
0x2: {  	s5 =	rddreg [dreg:$0x1]  }
0x3: {  	s3 =	rddreg [dreg:$0x2]  }
0x4: {  	s0 =	rddreg [dreg:$0x3];
	s6 =	srdreg.scid  }
0x5: {  	s4 =	simm.s32 $0x0;
	s2 =	stileid.u32;
	s14 =	simm.s32 $0x50  }
0x6: {  	s15 =	simm.s32 $0x8000;
	s16 =	simm.s32 $0x1;
	s17 =	simm.s32 $0x0  }
0x7: {  	s6 =	sand.u32 $0x1, s6;
	s8 =	sshll.u32 s2, $0xB;
	s9 =	smul.u32 $0x14000, s2  }
0x8: {  	[smem:$0x7FF] =	sst s4;
	s31 =	smul.u32 $0x50000, s2;
	s12 =	sshll.u32 s2, $0x6  }
0x9: {  	s7 =	sshll.u32 s6, $0xF;
	s30 =	smul.u32 $0x140000, s6;
	_ =	strace $0x80000053  }
0xa: {  	s6 =	ssub.s32 $0x2, s6;
	s12 =	sor.u32 $0x1C02, s12;
	s7 =	sor.u32 s8, s7  }
0xb: {  	s10 =	sshrl.u32 s9, $0x3;
	s11 =	sshrl.u32 s6, $0x1;
	s7 =	sadd.s32 s7, s5  }
0xc: {  	s8 =	sadd.s32 s9, s30;
	s10 =	sadd.s32 s10, s5;
	s11 =	ssub.s32 s6, s11  }
0xd: {  	s9 =	sshrl.u32 s31, $0x2;
	s8 =	sshrl.u32 s8, $0x3;
	s6 =	sadd.s32 $0x5600, s7  }
0xe: {  	s13 =	sadd.s32 s9, s3;
	s9 =	smax.u32 s11, $0x1;
	s11 =	simm.s32 $0x4000  }
0xf: {  	s8 =	sadd.s32 s8, s5;
	s5 =	sadd.s32 $0x15600, s7;
	s7 =	sadd.s32 $0x25600, s10  }
0x10: {  	s10 =	simm.s32 $0x2;
	s13 =	sshrl.u32 s13, $0x3;
	s8 =	sadd.s32 $0x4D600, s8  }
.LBB2_1:
0x11: {  	[tilespmem:s4], [sflag:$0x2] =	stream.linear.gather [hbm4b:s5+s4], $0x4000, $0x38;
	[tilespmem:$0x1E800] =	vst v63  }
0x12: {  	_ =	swait.ge [sflag:s10], $0x4000  }
0x13: {  	[sflag:s10] =	ssyncset.done $0x0  }
0x14: {  	[sflag:s10] =	ssyncadd.s32 $0xFFFFC000  }
0x15: {  	[tilespmem:s11], [sflag:$0x2] =	stream.linear.gather [hbm4b:s6+s4], $0x4000, $0x38;
	[tilespmem:$0x1E800] =	vst v63  }
0x16: {  	_ =	swait.ge [sflag:s10], $0x4000  }
0x17: {  	[sflag:s10] =	ssyncset.done $0x0  }
0x18: {  	[sflag:s10] =	ssyncadd.s32 $0xFFFFC000  }
0x19: {  	[spmem:s13], [sflag:s12] =	dma.local [hbm:s7], $0x2800  }
0x1a: {  	_ =	swait.ge [sflag:s10], $0x2800  }
0x1b: {  	[sflag:s10] =	ssyncset.done $0x0  }
0x1c: {  	[sflag:s10] =	ssyncadd.s32 $0xFFFFD800  }
0x1d: {  	s18 =	simm.s32 $0x0;
	[bflag:$0x0] =	sbarrier.arrive $0xFFFF  }
0x1e: {  	[tilespmem:s15], [sflag:$0x1] =	stream.indirect.gather [hbm4b:s1+s14], $0x80, s18, s14, $0xb8;
	[tilespmem:$0x1E800] =	vst v63  }
0x1f: {  	_ =	swait.ge [sflag:s16], $0x2800  }
0x20: {  	[sflag:s16] =	ssyncset.done $0x0  }
0x21: {  	s31 =	simm.s32 $0x4000;
	[sflag:s16] =	ssyncadd.s32 $0xFFFFD800  }
0x22: {  	[spmem:s3] =	stream.indirect.scatter.add.f32 [tilespmem:s15], [sflag:$0x2], $0x80, s31, s14, $0xb8;
	[tilespmem:$0x1E800] =	vst v63  }
0x23: {  	_ =	swait.ge [sflag:s10], $0x2800  }
0x24: {  	s19 =	simm.s32 $0x400;
	s18 =	simm.s32 $0x200;
	[sflag:s10] =	ssyncset.done $0x0  }
.LBB2_2:
0x25: {  	s20 =	sshra.s32 s18, $0x2  }
0x26: {  	[sflag:s10] =	ssyncadd.s32 $0xFFFFD800;
	s18 =	smov.u32 s19;
	s21 =	sadd.s32 $0x200, s19  }
0x27: {  	[tilespmem:s15], [sflag:$0x1] =	stream.indirect.gather [hbm4b:s1+s14], $0x80, s20, s14, $0xb8;
	[tilespmem:$0x1E800] =	vst v63  }
0x28: {  	p0 =	sne.s32 s19, $0xFE00;
	_ =	swait.ge [sflag:s16], $0x2800  }
.Ltmp0:
0x29: {  	[sflag:s16] =	ssyncset.done $0x0;
	(pc) =	sbr.rel @p0 .LBB2_2-.Ltmp0, $4  }
0x2a: {  	s19 =	sadd.s32 $0x4000, s20;
	[sflag:s16] =	ssyncadd.s32 $0xFFFFD800  }
0x2b: {  	[spmem:s3] =	stream.indirect.scatter.add.f32 [tilespmem:s15], [sflag:$0x2], $0x80, s19, s14, $0xb8;
	[tilespmem:$0x1E800] =	vst v63  }
0x2c: {  	_ =	swait.ge [sflag:s10], $0x2800  }
0x2d: {  	s19 =	smov.u32 s21;
	[sflag:s10] =	ssyncset.done $0x0  }
0x2e: {  	s18 =	sshra.s32 s18, $0x2;
	[sflag:s10] =	ssyncadd.s32 $0xFFFFD800  }
0x2f: {  	[tilespmem:s15], [sflag:$0x1] =	stream.indirect.gather [hbm4b:s1+s14], $0x80, s18, s14, $0xb8;
	[tilespmem:$0x1E800] =	vst v63  }
0x30: {  	_ =	swait.ge [sflag:s16], $0x2800  }
0x31: {  	[sflag:s16] =	ssyncset.done $0x0  }
0x32: {  	s18 =	sadd.s32 $0x4000, s18;
	[sflag:s16] =	ssyncadd.s32 $0xFFFFD800  }
0x33: {  	[spmem:s3] =	stream.indirect.scatter.add.f32 [tilespmem:s15], [sflag:$0x2], $0x80, s18, s14, $0xb8;
	[tilespmem:$0x1E800] =	vst v63  }
0x34: {  	_ =	swait.ge [sflag:s10], $0x2800  }
0x35: {  	s17 =	sadd.s32 $0x1, s17;
	[sflag:s10] =	ssyncset.done $0x0  }
0x36: {  	p0 =	sne.s32 s17, s9;
	[sflag:s10] =	ssyncadd.s32 $0xFFFFD800  }
.Ltmp1:
0x37: {  	[bflag:$0x0] =	sbarrier.arrive $0xFFFF;
	(pc) =	sbr.rel @p0 .LBB2_1-.Ltmp1, $4  }
0x38: {  	[hbm:s8], [sflag:s12] =	dma.local [spmem:s13], $0x2800  }
0x39: {  	_ =	swait.ge [sflag:s10], $0x2800  }
0x3a: {  	[sflag:s10] =	ssyncset.done $0x0  }
0x3b: {  	[sflag:s10] =	ssyncadd.s32 $0xFFFFD800  }
0x3c: {  	_ =	sfence.sel $0x180000  }
0x3d: {  	[bflag:$0x0] =	sbarrier.arrive $0xFFFF  }
0x3e: {  	p0 =	sne.s32 s2, $0x0;
	_ =	strace $0x90000053  }
0x3f: {  	s0 =	sadd.s32 @!p0 $0x100000, s0;
	[bflag:$0x2] =	sbarrier.arrive $0xFFFF  }
0x40: {  	[sflag:s0] =	ssyncadd.tile.s32 @!p0 $0x1;
	_ =	shalt  }
.Lfunc_end2:
_tile_overlayer_lowered:
.L_overlay_start_2:
0x41: {  	(tag) =	ssettag $0x2  }
0x42: {  	s0 =	rddreg [dreg:$0x0];
	s2 =	stileid.u32  }
0x43: {  	s1 =	rddreg [dreg:$0x1];
	p0 =	sne.s32 s2, $0x0  }
0x44: {  	s3 =	rddreg [dreg:$0x2];
	[bflag:$0x3] =	sbarrier.arrive $0xFFFF;
	s2 =	simm.s32 @!p0 $0x1C02  }
0x45: {  	[timem:s3], [sflag:s2] =	dma.local @!p0 [hbm:s0], s1  }
0x46: {  	s0 =	simm.s32 @!p0 $0x2  }
0x47: {  	_ =	swait.ge @!p0 [sflag:s0], s1  }
0x48: {  	s1 =	ssub.s32 @!p0 $0x0, s1;
	[sflag:s0] =	ssyncset.done @!p0 $0x0  }
0x49: {  	[sflag:s0] =	ssyncadd.s32 @!p0 s1  }
0x4a: {  	[bflag:$0x3] =	sbarrier.arrive $0xFFFF  }
0x4b: {  	_ =	shalt  }

</sc_bundles>
